<compile_context>
chip_gen: v7x
topology: tpu7x:2x2x1
jax: 0.10.2.dev20260603
libtpu: 0.0.44.dev20260713+nightly
codegen_flags: <defaults>
</compile_context>

<pallas_src>
import functools

import jax
import jax.numpy as jnp
from jax import lax
from jax.experimental import pallas as pl
from jax.experimental.pallas import tpu as pltpu
from jax.experimental.pallas import tpu_sc as plsc

NUM_CORES = 2
NUM_SUBCORES = 16
NW = NUM_CORES * NUM_SUBCORES
CHUNK = 256
NBUF = 5


@jax.jit
def _embed(idx3, W):
    n_chunks = idx3.shape[1]
    b_per_w = n_chunks * CHUNK
    total = NW * b_per_w
    D = W.shape[1]
    n_outer = n_chunks // NBUF
    assert n_chunks % NBUF == 0 and n_outer >= 2
    mesh = plsc.VectorSubcoreMesh(
        core_axis_name="c", subcore_axis_name="s",
        num_cores=NUM_CORES, num_subcores=NUM_SUBCORES)

    @functools.partial(
        pl.kernel,
        mesh=mesh,
        out_type=jax.ShapeDtypeStruct((total, D), jnp.float32),
        scratch_types=[
            pltpu.VMEM((n_chunks, CHUNK), jnp.int32),
            pltpu.VMEM((NBUF, CHUNK, D), jnp.float32),
        ] + [pltpu.SemaphoreType.DMA] * (2 * NBUF),
        compiler_params=pltpu.CompilerParams(
            use_tc_tiling_on_sc=False, disable_bounds_checks=True),
    )
    def k(table_hbm, idx_hbm, out_hbm, idx_v, bufs, *sems):
        gsem = sems[:NBUF]
        ssem = sems[NBUF:]
        wid = lax.axis_index("s") * NUM_CORES + lax.axis_index("c")
        base = wid * b_per_w
        pltpu.sync_copy(idx_hbm.at[wid], idx_v)

        def gather(j, b):
            pltpu.async_copy(table_hbm.at[idx_v.at[j]], bufs.at[b], gsem[b])

        def store(j, b):
            pltpu.async_copy(
                bufs.at[b], out_hbm.at[pl.ds(base + j * CHUNK, CHUNK)],
                ssem[b])

        def wait_gather(j, b):
            pltpu.make_async_copy(
                table_hbm.at[idx_v.at[j]], bufs.at[b], gsem[b]).wait()

        def wait_store(j, b):
            pltpu.make_async_copy(
                bufs.at[b], out_hbm.at[pl.ds(base + j * CHUNK, CHUNK)],
                ssem[b]).wait()

        for b in range(NBUF):
            gather(b, b)

        def body(g, carry):
            for b in range(NBUF):
                j = g * NBUF + b
                wait_gather(j, b)
                store(j, b)
                wait_store(j, b)
                gather(j + NBUF, b)
            return carry

        lax.fori_loop(0, n_outer - 1, body, 0)

        for b in range(NBUF):
            j = (n_outer - 1) * NBUF + b
            wait_gather(j, b)
            store(j, b)
        for b in range(NBUF):
            j = (n_outer - 1) * NBUF + b
            wait_store(j, b)

    return k(W, idx3)


def kernel(id, W):
    B, S = id.shape
    D = W.shape[1]
    total = B * S
    idx3 = id.reshape(NW, total // (NW * CHUNK), CHUNK).astype(jnp.int32)
    out = _embed(idx3, W)
    return out.reshape(B, S, D)

# --- scband reference (transcript-rebuilt; emitter-appended) ---
"""Pipeline reference for scband-embedding-37374805410592 (READ-ONLY COPY).

The authoritative reference and input builder live on the scoring server;
editing this copy changes nothing except your own understanding.
"""

import jax, jax.numpy as jnp
import numpy as np

VOCAB_SIZE = 100000
WORDVEC_SIZE = 64

def setup_inputs(seed: int = 0) -> dict:
    key = jax.random.key(seed)
    k1, k2 = jax.random.split(key)
    id = jax.random.randint(k1, (4096, 50), 0, VOCAB_SIZE, dtype=jnp.int64 if jax.config.jax_enable_x64 else jnp.int32)
    W = jax.random.normal(k2, (VOCAB_SIZE, WORDVEC_SIZE), dtype=jnp.float32)
    return {"id": id, "W": W}

def reference(id, W):
    # out = W[id]  (embedding gather)
    out = jnp.take(W, id, axis=0)
    return out

if __name__ == "__main__":
    import jax
    _d = setup_inputs()
    print(jax.jit(kernel)(*tuple(_d.values())))

</pallas_src>

<mosaic_0001>
#map = affine_map<(d0, d1) -> (0, 0)>
#map1 = affine_map<(d0, d1) -> (0, 0, 0)>
module attributes {stable_mosaic.version = 14 : i64} {
  func.func @k(%arg0: i32, %arg1: i32, %arg2: memref<100000x64xf32, #tpu.memory_space<hbm>>, %arg3: memref<32x25x256xi32, #tpu.memory_space<hbm>>, %arg4: memref<204800x64xf32, #tpu.memory_space<hbm>>, %arg5: memref<25x256xi32, #tpu.memory_space<vmem>>, %arg6: memref<5x256x64xf32, #tpu.memory_space<vmem>>, %arg7: memref<!tpu.dma_semaphore, #tpu.memory_space<semaphore_mem>>, %arg8: memref<!tpu.dma_semaphore, #tpu.memory_space<semaphore_mem>>, %arg9: memref<!tpu.dma_semaphore, #tpu.memory_space<semaphore_mem>>, %arg10: memref<!tpu.dma_semaphore, #tpu.memory_space<semaphore_mem>>, %arg11: memref<!tpu.dma_semaphore, #tpu.memory_space<semaphore_mem>>, %arg12: memref<!tpu.dma_semaphore, #tpu.memory_space<semaphore_mem>>, %arg13: memref<!tpu.dma_semaphore, #tpu.memory_space<semaphore_mem>>, %arg14: memref<!tpu.dma_semaphore, #tpu.memory_space<semaphore_mem>>, %arg15: memref<!tpu.dma_semaphore, #tpu.memory_space<semaphore_mem>>, %arg16: memref<!tpu.dma_semaphore, #tpu.memory_space<semaphore_mem>>) attributes {dimension_semantics = [#tpu.dimension_semantics<core_parallel>, #tpu.dimension_semantics<subcore_parallel>], iteration_bounds = array<i64: 2, 16>, scalar_prefetch = 0 : i64, scratch_operands = 12 : i64, tpu.core_type = #tpu.core_type<sc_vector_subcore>, window_params = [{transform_indices = #map}, {transform_indices = #map1}, {transform_indices = #map}]} {
    %mul3A = arith.constant 2 : i32
    %mul3A_0 = arith.muli %arg1, %mul3A : i32
    %add3A = arith.addi %mul3A_0, %arg0 : i32
    %mul3A_1 = arith.constant 6400 : i32
    %mul3A_2 = arith.muli %add3A, %mul3A_1 : i32
    "tpu.region"() ({
      %run_scoped3A = tpu.sem_alloc : memref<!tpu.dma_semaphore, #tpu.memory_space<semaphore_mem>>
      %dma_start3A_276 = arith.constant 0 : i32
      %dma_start3A_277 = arith.constant 0 : i32
      %dma_start3A_278 = tpu.memref_slice %arg3[%add3A, %dma_start3A_276, %dma_start3A_277] : memref<32x25x256xi32, #tpu.memory_space<hbm>> -> memref<1x25x256xi32, #tpu.memory_space<hbm>>
      %dma_start3A_279 = tpu.memref_squeeze %dma_start3A_278 : memref<1x25x256xi32, #tpu.memory_space<hbm>> -> memref<25x256xi32, #tpu.memory_space<hbm>>
      %dma_start3A_280 = arith.constant 0 : i32
      %dma_start3A_281 = arith.constant 0 : i32
      %dma_start3A_282 = tpu.memref_slice %arg3[%add3A, %dma_start3A_280, %dma_start3A_281] : memref<32x25x256xi32, #tpu.memory_space<hbm>> -> memref<1x25x256xi32, #tpu.memory_space<hbm>>
      %dma_start3A_283 = tpu.memref_squeeze %dma_start3A_282 : memref<1x25x256xi32, #tpu.memory_space<hbm>> -> memref<25x256xi32, #tpu.memory_space<hbm>>
      tpu.enqueue_dma source(%dma_start3A_283 : memref<25x256xi32, #tpu.memory_space<hbm>>) target(%arg5 : memref<25x256xi32, #tpu.memory_space<vmem>>) target_semaphore(%run_scoped3A : memref<!tpu.dma_semaphore, #tpu.memory_space<semaphore_mem>>)
      %dma_wait3A_284 = arith.constant 0 : i32
      %dma_wait3A_285 = arith.constant 0 : i32
      %dma_wait3A_286 = tpu.memref_slice %arg3[%add3A, %dma_wait3A_284, %dma_wait3A_285] : memref<32x25x256xi32, #tpu.memory_space<hbm>> -> memref<1x25x256xi32, #tpu.memory_space<hbm>>
      %dma_wait3A_287 = tpu.memref_squeeze %dma_wait3A_286 : memref<1x25x256xi32, #tpu.memory_space<hbm>> -> memref<25x256xi32, #tpu.memory_space<hbm>>
      %dma_wait3A_288 = arith.constant 0 : i32
      %dma_wait3A_289 = arith.constant 0 : i32
      %dma_wait3A_290 = tpu.memref_slice %arg3[%add3A, %dma_wait3A_288, %dma_wait3A_289] : memref<32x25x256xi32, #tpu.memory_space<hbm>> -> memref<1x25x256xi32, #tpu.memory_space<hbm>>
      %dma_wait3A_291 = tpu.memref_squeeze %dma_wait3A_290 : memref<1x25x256xi32, #tpu.memory_space<hbm>> -> memref<25x256xi32, #tpu.memory_space<hbm>>
      tpu.wait_dma2 semaphore(%run_scoped3A : memref<!tpu.dma_semaphore, #tpu.memory_space<semaphore_mem>>) src(%dma_wait3A_291 : memref<25x256xi32, #tpu.memory_space<hbm>>) dst(%arg5 : memref<25x256xi32, #tpu.memory_space<vmem>>)
      tpu.yield
    }) : () -> ()
    %dma_start3A = arith.constant 0 : i32
    %dma_start3A_3 = arith.constant 0 : i32
    %dma_start3A_4 = arith.constant 0 : i32
    %dma_start3A_5 = arith.constant 0 : i32
    %dma_start3A_6 = tpu.memref_slice %arg6[%dma_start3A_3, %dma_start3A_4, %dma_start3A_5] : memref<5x256x64xf32, #tpu.memory_space<vmem>> -> memref<1x256x64xf32, #tpu.memory_space<vmem>>
    %dma_start3A_7 = tpu.memref_squeeze %dma_start3A_6 : memref<1x256x64xf32, #tpu.memory_space<vmem>> -> memref<256x64xf32, #tpu.memory_space<vmem>>
    %dma_start3A_8 = arith.constant 0 : i32
    %dma_start3A_9 = tpu.memref_slice %arg5[%dma_start3A, %dma_start3A_8] : memref<25x256xi32, #tpu.memory_space<vmem>> -> memref<1x256xi32, #tpu.memory_space<vmem>>
    %dma_start3A_10 = tpu.memref_squeeze %dma_start3A_9 : memref<1x256xi32, #tpu.memory_space<vmem>> -> memref<256xi32, #tpu.memory_space<vmem>>
    %dma_start3A_11 = arith.constant 0 : i32
    %dma_start3A_12 = arith.constant 0 : i32
    %dma_start3A_13 = tpu.memref_slice %arg2[%dma_start3A_11, %dma_start3A_12] : memref<100000x64xf32, #tpu.memory_space<hbm>> -> memref<100000x64xf32, #tpu.memory_space<hbm>>
    tpu.enqueue_indirect_dma source(%dma_start3A_13 : memref<100000x64xf32, #tpu.memory_space<hbm>>) target(%dma_start3A_7 : memref<256x64xf32, #tpu.memory_space<vmem>>) offsets(%dma_start3A_10 : memref<256xi32, #tpu.memory_space<vmem>>) semaphore(%arg7 : memref<!tpu.dma_semaphore, #tpu.memory_space<semaphore_mem>>)
    %dma_start3A_14 = arith.constant 1 : i32
    %dma_start3A_15 = arith.constant 1 : i32
    %dma_start3A_16 = arith.constant 0 : i32
    %dma_start3A_17 = arith.constant 0 : i32
    %dma_start3A_18 = tpu.memref_slice %arg6[%dma_start3A_15, %dma_start3A_16, %dma_start3A_17] : memref<5x256x64xf32, #tpu.memory_space<vmem>> -> memref<1x256x64xf32, #tpu.memory_space<vmem>>
    %dma_start3A_19 = tpu.memref_squeeze %dma_start3A_18 : memref<1x256x64xf32, #tpu.memory_space<vmem>> -> memref<256x64xf32, #tpu.memory_space<vmem>>
    %dma_start3A_20 = arith.constant 0 : i32
    %dma_start3A_21 = tpu.memref_slice %arg5[%dma_start3A_14, %dma_start3A_20] : memref<25x256xi32, #tpu.memory_space<vmem>> -> memref<1x256xi32, #tpu.memory_space<vmem>>
    %dma_start3A_22 = tpu.memref_squeeze %dma_start3A_21 : memref<1x256xi32, #tpu.memory_space<vmem>> -> memref<256xi32, #tpu.memory_space<vmem>>
    %dma_start3A_23 = arith.constant 0 : i32
    %dma_start3A_24 = arith.constant 0 : i32
    %dma_start3A_25 = tpu.memref_slice %arg2[%dma_start3A_23, %dma_start3A_24] : memref<100000x64xf32, #tpu.memory_space<hbm>> -> memref<100000x64xf32, #tpu.memory_space<hbm>>
    tpu.enqueue_indirect_dma source(%dma_start3A_25 : memref<100000x64xf32, #tpu.memory_space<hbm>>) target(%dma_start3A_19 : memref<256x64xf32, #tpu.memory_space<vmem>>) offsets(%dma_start3A_22 : memref<256xi32, #tpu.memory_space<vmem>>) semaphore(%arg8 : memref<!tpu.dma_semaphore, #tpu.memory_space<semaphore_mem>>)
    %dma_start3A_26 = arith.constant 2 : i32
    %dma_start3A_27 = arith.constant 2 : i32
    %dma_start3A_28 = arith.constant 0 : i32
    %dma_start3A_29 = arith.constant 0 : i32
    %dma_start3A_30 = tpu.memref_slice %arg6[%dma_start3A_27, %dma_start3A_28, %dma_start3A_29] : memref<5x256x64xf32, #tpu.memory_space<vmem>> -> memref<1x256x64xf32, #tpu.memory_space<vmem>>
    %dma_start3A_31 = tpu.memref_squeeze %dma_start3A_30 : memref<1x256x64xf32, #tpu.memory_space<vmem>> -> memref<256x64xf32, #tpu.memory_space<vmem>>
    %dma_start3A_32 = arith.constant 0 : i32
    %dma_start3A_33 = tpu.memref_slice %arg5[%dma_start3A_26, %dma_start3A_32] : memref<25x256xi32, #tpu.memory_space<vmem>> -> memref<1x256xi32, #tpu.memory_space<vmem>>
    %dma_start3A_34 = tpu.memref_squeeze %dma_start3A_33 : memref<1x256xi32, #tpu.memory_space<vmem>> -> memref<256xi32, #tpu.memory_space<vmem>>
    %dma_start3A_35 = arith.constant 0 : i32
    %dma_start3A_36 = arith.constant 0 : i32
    %dma_start3A_37 = tpu.memref_slice %arg2[%dma_start3A_35, %dma_start3A_36] : memref<100000x64xf32, #tpu.memory_space<hbm>> -> memref<100000x64xf32, #tpu.memory_space<hbm>>
    tpu.enqueue_indirect_dma source(%dma_start3A_37 : memref<100000x64xf32, #tpu.memory_space<hbm>>) target(%dma_start3A_31 : memref<256x64xf32, #tpu.memory_space<vmem>>) offsets(%dma_start3A_34 : memref<256xi32, #tpu.memory_space<vmem>>) semaphore(%arg9 : memref<!tpu.dma_semaphore, #tpu.memory_space<semaphore_mem>>)
    %dma_start3A_38 = arith.constant 3 : i32
    %dma_start3A_39 = arith.constant 3 : i32
    %dma_start3A_40 = arith.constant 0 : i32
    %dma_start3A_41 = arith.constant 0 : i32
    %dma_start3A_42 = tpu.memref_slice %arg6[%dma_start3A_39, %dma_start3A_40, %dma_start3A_41] : memref<5x256x64xf32, #tpu.memory_space<vmem>> -> memref<1x256x64xf32, #tpu.memory_space<vmem>>
    %dma_start3A_43 = tpu.memref_squeeze %dma_start3A_42 : memref<1x256x64xf32, #tpu.memory_space<vmem>> -> memref<256x64xf32, #tpu.memory_space<vmem>>
    %dma_start3A_44 = arith.constant 0 : i32
    %dma_start3A_45 = tpu.memref_slice %arg5[%dma_start3A_38, %dma_start3A_44] : memref<25x256xi32, #tpu.memory_space<vmem>> -> memref<1x256xi32, #tpu.memory_space<vmem>>
    %dma_start3A_46 = tpu.memref_squeeze %dma_start3A_45 : memref<1x256xi32, #tpu.memory_space<vmem>> -> memref<256xi32, #tpu.memory_space<vmem>>
    %dma_start3A_47 = arith.constant 0 : i32
    %dma_start3A_48 = arith.constant 0 : i32
    %dma_start3A_49 = tpu.memref_slice %arg2[%dma_start3A_47, %dma_start3A_48] : memref<100000x64xf32, #tpu.memory_space<hbm>> -> memref<100000x64xf32, #tpu.memory_space<hbm>>
    tpu.enqueue_indirect_dma source(%dma_start3A_49 : memref<100000x64xf32, #tpu.memory_space<hbm>>) target(%dma_start3A_43 : memref<256x64xf32, #tpu.memory_space<vmem>>) offsets(%dma_start3A_46 : memref<256xi32, #tpu.memory_space<vmem>>) semaphore(%arg10 : memref<!tpu.dma_semaphore, #tpu.memory_space<semaphore_mem>>)
    %dma_start3A_50 = arith.constant 4 : i32
    %dma_start3A_51 = arith.constant 4 : i32
    %dma_start3A_52 = arith.constant 0 : i32
    %dma_start3A_53 = arith.constant 0 : i32
    %dma_start3A_54 = tpu.memref_slice %arg6[%dma_start3A_51, %dma_start3A_52, %dma_start3A_53] : memref<5x256x64xf32, #tpu.memory_space<vmem>> -> memref<1x256x64xf32, #tpu.memory_space<vmem>>
    %dma_start3A_55 = tpu.memref_squeeze %dma_start3A_54 : memref<1x256x64xf32, #tpu.memory_space<vmem>> -> memref<256x64xf32, #tpu.memory_space<vmem>>
    %dma_start3A_56 = arith.constant 0 : i32
    %dma_start3A_57 = tpu.memref_slice %arg5[%dma_start3A_50, %dma_start3A_56] : memref<25x256xi32, #tpu.memory_space<vmem>> -> memref<1x256xi32, #tpu.memory_space<vmem>>
    %dma_start3A_58 = tpu.memref_squeeze %dma_start3A_57 : memref<1x256xi32, #tpu.memory_space<vmem>> -> memref<256xi32, #tpu.memory_space<vmem>>
    %dma_start3A_59 = arith.constant 0 : i32
    %dma_start3A_60 = arith.constant 0 : i32
    %dma_start3A_61 = tpu.memref_slice %arg2[%dma_start3A_59, %dma_start3A_60] : memref<100000x64xf32, #tpu.memory_space<hbm>> -> memref<100000x64xf32, #tpu.memory_space<hbm>>
    tpu.enqueue_indirect_dma source(%dma_start3A_61 : memref<100000x64xf32, #tpu.memory_space<hbm>>) target(%dma_start3A_55 : memref<256x64xf32, #tpu.memory_space<vmem>>) offsets(%dma_start3A_58 : memref<256xi32, #tpu.memory_space<vmem>>) semaphore(%arg11 : memref<!tpu.dma_semaphore, #tpu.memory_space<semaphore_mem>>)
    %scan3A = arith.constant 0 : i32
    %scan3A_62 = arith.constant 0 : i32
    %scan3A_63 = arith.constant 4 : i32
    %scan3A_64 = arith.addi %scan3A_62, %scan3A_63 : i32
    %scan3A_65 = arith.constant 1 : i32
    scf.for %scan3A_276 = %scan3A_62 to %scan3A_64 step %scan3A_65  : i32 {
      %mul3A_277 = arith.constant 5 : i32
      %mul3A_278 = arith.muli %scan3A_276, %mul3A_277 : i32
      %add3A_279 = arith.constant 0 : i32
      %add3A_280 = arith.addi %mul3A_278, %add3A_279 : i32
      %dma_wait3A_281 = arith.constant 0 : i32
      %dma_wait3A_282 = arith.constant 0 : i32
      %dma_wait3A_283 = arith.constant 0 : i32
      %dma_wait3A_284 = tpu.memref_slice %arg6[%dma_wait3A_281, %dma_wait3A_282, %dma_wait3A_283] : memref<5x256x64xf32, #tpu.memory_space<vmem>> -> memref<1x256x64xf32, #tpu.memory_space<vmem>>
      %dma_wait3A_285 = tpu.memref_squeeze %dma_wait3A_284 : memref<1x256x64xf32, #tpu.memory_space<vmem>> -> memref<256x64xf32, #tpu.memory_space<vmem>>
      %dma_wait3A_286 = arith.constant 0 : i32
      %dma_wait3A_287 = tpu.memref_slice %arg5[%add3A_280, %dma_wait3A_286] : memref<25x256xi32, #tpu.memory_space<vmem>> -> memref<1x256xi32, #tpu.memory_space<vmem>>
      %dma_wait3A_288 = tpu.memref_squeeze %dma_wait3A_287 : memref<1x256xi32, #tpu.memory_space<vmem>> -> memref<256xi32, #tpu.memory_space<vmem>>
      %dma_wait3A_289 = arith.constant 0 : i32
      %dma_wait3A_290 = arith.constant 0 : i32
      %dma_wait3A_291 = tpu.memref_slice %arg2[%dma_wait3A_289, %dma_wait3A_290] : memref<100000x64xf32, #tpu.memory_space<hbm>> -> memref<100000x64xf32, #tpu.memory_space<hbm>>
      tpu.wait_indirect_dma semaphore(%arg7 : memref<!tpu.dma_semaphore, #tpu.memory_space<semaphore_mem>>) src(%dma_wait3A_291 : memref<100000x64xf32, #tpu.memory_space<hbm>>) dst(%dma_wait3A_285 : memref<256x64xf32, #tpu.memory_space<vmem>>)
      %mul3A_292 = arith.constant 256 : i32
      %mul3A_293 = arith.muli %add3A_280, %mul3A_292 : i32
      %add3A_294 = arith.addi %mul3A_2, %mul3A_293 : i32
      %dma_start3A_295 = arith.constant 0 : i32
      %dma_start3A_296 = arith.constant 0 : i32
      %dma_start3A_297 = arith.constant 0 : i32
      %dma_start3A_298 = tpu.memref_slice %arg6[%dma_start3A_295, %dma_start3A_296, %dma_start3A_297] : memref<5x256x64xf32, #tpu.memory_space<vmem>> -> memref<1x256x64xf32, #tpu.memory_space<vmem>>
      %dma_start3A_299 = tpu.memref_squeeze %dma_start3A_298 : memref<1x256x64xf32, #tpu.memory_space<vmem>> -> memref<256x64xf32, #tpu.memory_space<vmem>>
      %dma_start3A_300 = arith.constant 0 : i32
      %dma_start3A_301 = tpu.memref_slice %arg4[%add3A_294, %dma_start3A_300] : memref<204800x64xf32, #tpu.memory_space<hbm>> -> memref<256x64xf32, #tpu.memory_space<hbm>>
      %dma_start3A_302 = arith.constant 0 : i32
      %dma_start3A_303 = tpu.memref_slice %arg4[%add3A_294, %dma_start3A_302] : memref<204800x64xf32, #tpu.memory_space<hbm>> -> memref<256x64xf32, #tpu.memory_space<hbm>>
      %dma_start3A_304 = arith.constant 0 : i32
      %dma_start3A_305 = arith.constant 0 : i32
      %dma_start3A_306 = tpu.memref_slice %arg6[%dma_start3A_295, %dma_start3A_304, %dma_start3A_305] : memref<5x256x64xf32, #tpu.memory_space<vmem>> -> memref<1x256x64xf32, #tpu.memory_space<vmem>>
      %dma_start3A_307 = tpu.memref_squeeze %dma_start3A_306 : memref<1x256x64xf32, #tpu.memory_space<vmem>> -> memref<256x64xf32, #tpu.memory_space<vmem>>
      tpu.enqueue_dma source(%dma_start3A_307 : memref<256x64xf32, #tpu.memory_space<vmem>>) target(%dma_start3A_303 : memref<256x64xf32, #tpu.memory_space<hbm>>) target_semaphore(%arg12 : memref<!tpu.dma_semaphore, #tpu.memory_space<semaphore_mem>>)
      %mul3A_308 = arith.constant 256 : i32
      %mul3A_309 = arith.muli %add3A_280, %mul3A_308 : i32
      %add3A_310 = arith.addi %mul3A_2, %mul3A_309 : i32
      %dma_wait3A_311 = arith.constant 0 : i32
      %dma_wait3A_312 = arith.constant 0 : i32
      %dma_wait3A_313 = arith.constant 0 : i32
      %dma_wait3A_314 = tpu.memref_slice %arg6[%dma_wait3A_311, %dma_wait3A_312, %dma_wait3A_313] : memref<5x256x64xf32, #tpu.memory_space<vmem>> -> memref<1x256x64xf32, #tpu.memory_space<vmem>>
      %dma_wait3A_315 = tpu.memref_squeeze %dma_wait3A_314 : memref<1x256x64xf32, #tpu.memory_space<vmem>> -> memref<256x64xf32, #tpu.memory_space<vmem>>
      %dma_wait3A_316 = arith.constant 0 : i32
      %dma_wait3A_317 = tpu.memref_slice %arg4[%add3A_310, %dma_wait3A_316] : memref<204800x64xf32, #tpu.memory_space<hbm>> -> memref<256x64xf32, #tpu.memory_space<hbm>>
      %dma_wait3A_318 = arith.constant 0 : i32
      %dma_wait3A_319 = tpu.memref_slice %arg4[%add3A_310, %dma_wait3A_318] : memref<204800x64xf32, #tpu.memory_space<hbm>> -> memref<256x64xf32, #tpu.memory_space<hbm>>
      %dma_wait3A_320 = arith.constant 0 : i32
      %dma_wait3A_321 = arith.constant 0 : i32
      %dma_wait3A_322 = tpu.memref_slice %arg6[%dma_wait3A_311, %dma_wait3A_320, %dma_wait3A_321] : memref<5x256x64xf32, #tpu.memory_space<vmem>> -> memref<1x256x64xf32, #tpu.memory_space<vmem>>
      %dma_wait3A_323 = tpu.memref_squeeze %dma_wait3A_322 : memref<1x256x64xf32, #tpu.memory_space<vmem>> -> memref<256x64xf32, #tpu.memory_space<vmem>>
      tpu.wait_dma2 semaphore(%arg12 : memref<!tpu.dma_semaphore, #tpu.memory_space<semaphore_mem>>) src(%dma_wait3A_323 : memref<256x64xf32, #tpu.memory_space<vmem>>) dst(%dma_wait3A_319 : memref<256x64xf32, #tpu.memory_space<hbm>>)
      %add3A_324 = arith.constant 5 : i32
      %add3A_325 = arith.addi %add3A_280, %add3A_324 : i32
      %dma_start3A_326 = arith.constant 0 : i32
      %dma_start3A_327 = arith.constant 0 : i32
      %dma_start3A_328 = arith.constant 0 : i32
      %dma_start3A_329 = tpu.memref_slice %arg6[%dma_start3A_326, %dma_start3A_327, %dma_start3A_328] : memref<5x256x64xf32, #tpu.memory_space<vmem>> -> memref<1x256x64xf32, #tpu.memory_space<vmem>>
      %dma_start3A_330 = tpu.memref_squeeze %dma_start3A_329 : memref<1x256x64xf32, #tpu.memory_space<vmem>> -> memref<256x64xf32, #tpu.memory_space<vmem>>
      %dma_start3A_331 = arith.constant 0 : i32
      %dma_start3A_332 = tpu.memref_slice %arg5[%add3A_325, %dma_start3A_331] : memref<25x256xi32, #tpu.memory_space<vmem>> -> memref<1x256xi32, #tpu.memory_space<vmem>>
      %dma_start3A_333 = tpu.memref_squeeze %dma_start3A_332 : memref<1x256xi32, #tpu.memory_space<vmem>> -> memref<256xi32, #tpu.memory_space<vmem>>
      %dma_start3A_334 = arith.constant 0 : i32
      %dma_start3A_335 = arith.constant 0 : i32
      %dma_start3A_336 = tpu.memref_slice %arg2[%dma_start3A_334, %dma_start3A_335] : memref<100000x64xf32, #tpu.memory_space<hbm>> -> memref<100000x64xf32, #tpu.memory_space<hbm>>
      tpu.enqueue_indirect_dma source(%dma_start3A_336 : memref<100000x64xf32, #tpu.memory_space<hbm>>) target(%dma_start3A_330 : memref<256x64xf32, #tpu.memory_space<vmem>>) offsets(%dma_start3A_333 : memref<256xi32, #tpu.memory_space<vmem>>) semaphore(%arg7 : memref<!tpu.dma_semaphore, #tpu.memory_space<semaphore_mem>>)
      %mul3A_337 = arith.constant 5 : i32
      %mul3A_338 = arith.muli %scan3A_276, %mul3A_337 : i32
      %add3A_339 = arith.constant 1 : i32
      %add3A_340 = arith.addi %mul3A_338, %add3A_339 : i32
      %dma_wait3A_341 = arith.constant 1 : i32
      %dma_wait3A_342 = arith.constant 0 : i32
      %dma_wait3A_343 = arith.constant 0 : i32
      %dma_wait3A_344 = tpu.memref_slice %arg6[%dma_wait3A_341, %dma_wait3A_342, %dma_wait3A_343] : memref<5x256x64xf32, #tpu.memory_space<vmem>> -> memref<1x256x64xf32, #tpu.memory_space<vmem>>
      %dma_wait3A_345 = tpu.memref_squeeze %dma_wait3A_344 : memref<1x256x64xf32, #tpu.memory_space<vmem>> -> memref<256x64xf32, #tpu.memory_space<vmem>>
      %dma_wait3A_346 = arith.constant 0 : i32
      %dma_wait3A_347 = tpu.memref_slice %arg5[%add3A_340, %dma_wait3A_346] : memref<25x256xi32, #tpu.memory_space<vmem>> -> memref<1x256xi32, #tpu.memory_space<vmem>>
      %dma_wait3A_348 = tpu.memref_squeeze %dma_wait3A_347 : memref<1x256xi32, #tpu.memory_space<vmem>> -> memref<256xi32, #tpu.memory_space<vmem>>
      %dma_wait3A_349 = arith.constant 0 : i32
      %dma_wait3A_350 = arith.constant 0 : i32
      %dma_wait3A_351 = tpu.memref_slice %arg2[%dma_wait3A_349, %dma_wait3A_350] : memref<100000x64xf32, #tpu.memory_space<hbm>> -> memref<100000x64xf32, #tpu.memory_space<hbm>>
      tpu.wait_indirect_dma semaphore(%arg8 : memref<!tpu.dma_semaphore, #tpu.memory_space<semaphore_mem>>) src(%dma_wait3A_351 : memref<100000x64xf32, #tpu.memory_space<hbm>>) dst(%dma_wait3A_345 : memref<256x64xf32, #tpu.memory_space<vmem>>)
      %mul3A_352 = arith.constant 256 : i32
      %mul3A_353 = arith.muli %add3A_340, %mul3A_352 : i32
      %add3A_354 = arith.addi %mul3A_2, %mul3A_353 : i32
      %dma_start3A_355 = arith.constant 1 : i32
      %dma_start3A_356 = arith.constant 0 : i32
      %dma_start3A_357 = arith.constant 0 : i32
      %dma_start3A_358 = tpu.memref_slice %arg6[%dma_start3A_355, %dma_start3A_356, %dma_start3A_357] : memref<5x256x64xf32, #tpu.memory_space<vmem>> -> memref<1x256x64xf32, #tpu.memory_space<vmem>>
      %dma_start3A_359 = tpu.memref_squeeze %dma_start3A_358 : memref<1x256x64xf32, #tpu.memory_space<vmem>> -> memref<256x64xf32, #tpu.memory_space<vmem>>
      %dma_start3A_360 = arith.constant 0 : i32
      %dma_start3A_361 = tpu.memref_slice %arg4[%add3A_354, %dma_start3A_360] : memref<204800x64xf32, #tpu.memory_space<hbm>> -> memref<256x64xf32, #tpu.memory_space<hbm>>
      %dma_start3A_362 = arith.constant 0 : i32
      %dma_start3A_363 = tpu.memref_slice %arg4[%add3A_354, %dma_start3A_362] : memref<204800x64xf32, #tpu.memory_space<hbm>> -> memref<256x64xf32, #tpu.memory_space<hbm>>
      %dma_start3A_364 = arith.constant 0 : i32
      %dma_start3A_365 = arith.constant 0 : i32
      %dma_start3A_366 = tpu.memref_slice %arg6[%dma_start3A_355, %dma_start3A_364, %dma_start3A_365] : memref<5x256x64xf32, #tpu.memory_space<vmem>> -> memref<1x256x64xf32, #tpu.memory_space<vmem>>
      %dma_start3A_367 = tpu.memref_squeeze %dma_start3A_366 : memref<1x256x64xf32, #tpu.memory_space<vmem>> -> memref<256x64xf32, #tpu.memory_space<vmem>>
      tpu.enqueue_dma source(%dma_start3A_367 : memref<256x64xf32, #tpu.memory_space<vmem>>) target(%dma_start3A_363 : memref<256x64xf32, #tpu.memory_space<hbm>>) target_semaphore(%arg13 : memref<!tpu.dma_semaphore, #tpu.memory_space<semaphore_mem>>)
      %mul3A_368 = arith.constant 256 : i32
      %mul3A_369 = arith.muli %add3A_340, %mul3A_368 : i32
      %add3A_370 = arith.addi %mul3A_2, %mul3A_369 : i32
      %dma_wait3A_371 = arith.constant 1 : i32
      %dma_wait3A_372 = arith.constant 0 : i32
      %dma_wait3A_373 = arith.constant 0 : i32
      %dma_wait3A_374 = tpu.memref_slice %arg6[%dma_wait3A_371, %dma_wait3A_372, %dma_wait3A_373] : memref<5x256x64xf32, #tpu.memory_space<vmem>> -> memref<1x256x64xf32, #tpu.memory_space<vmem>>
      %dma_wait3A_375 = tpu.memref_squeeze %dma_wait3A_374 : memref<1x256x64xf32, #tpu.memory_space<vmem>> -> memref<256x64xf32, #tpu.memory_space<vmem>>
      %dma_wait3A_376 = arith.constant 0 : i32
      %dma_wait3A_377 = tpu.memref_slice %arg4[%add3A_370, %dma_wait3A_376] : memref<204800x64xf32, #tpu.memory_space<hbm>> -> memref<256x64xf32, #tpu.memory_space<hbm>>
      %dma_wait3A_378 = arith.constant 0 : i32
      %dma_wait3A_379 = tpu.memref_slice %arg4[%add3A_370, %dma_wait3A_378] : memref<204800x64xf32, #tpu.memory_space<hbm>> -> memref<256x64xf32, #tpu.memory_space<hbm>>
      %dma_wait3A_380 = arith.constant 0 : i32
      %dma_wait3A_381 = arith.constant 0 : i32
      %dma_wait3A_382 = tpu.memref_slice %arg6[%dma_wait3A_371, %dma_wait3A_380, %dma_wait3A_381] : memref<5x256x64xf32, #tpu.memory_space<vmem>> -> memref<1x256x64xf32, #tpu.memory_space<vmem>>
      %dma_wait3A_383 = tpu.memref_squeeze %dma_wait3A_382 : memref<1x256x64xf32, #tpu.memory_space<vmem>> -> memref<256x64xf32, #tpu.memory_space<vmem>>
      tpu.wait_dma2 semaphore(%arg13 : memref<!tpu.dma_semaphore, #tpu.memory_space<semaphore_mem>>) src(%dma_wait3A_383 : memref<256x64xf32, #tpu.memory_space<vmem>>) dst(%dma_wait3A_379 : memref<256x64xf32, #tpu.memory_space<hbm>>)
      %add3A_384 = arith.constant 5 : i32
      %add3A_385 = arith.addi %add3A_340, %add3A_384 : i32
      %dma_start3A_386 = arith.constant 1 : i32
      %dma_start3A_387 = arith.constant 0 : i32
      %dma_start3A_388 = arith.constant 0 : i32
      %dma_start3A_389 = tpu.memref_slice %arg6[%dma_start3A_386, %dma_start3A_387, %dma_start3A_388] : memref<5x256x64xf32, #tpu.memory_space<vmem>> -> memref<1x256x64xf32, #tpu.memory_space<vmem>>
      %dma_start3A_390 = tpu.memref_squeeze %dma_start3A_389 : memref<1x256x64xf32, #tpu.memory_space<vmem>> -> memref<256x64xf32, #tpu.memory_space<vmem>>
      %dma_start3A_391 = arith.constant 0 : i32
      %dma_start3A_392 = tpu.memref_slice %arg5[%add3A_385, %dma_start3A_391] : memref<25x256xi32, #tpu.memory_space<vmem>> -> memref<1x256xi32, #tpu.memory_space<vmem>>
      %dma_start3A_393 = tpu.memref_squeeze %dma_start3A_392 : memref<1x256xi32, #tpu.memory_space<vmem>> -> memref<256xi32, #tpu.memory_space<vmem>>
      %dma_start3A_394 = arith.constant 0 : i32
      %dma_start3A_395 = arith.constant 0 : i32
      %dma_start3A_396 = tpu.memref_slice %arg2[%dma_start3A_394, %dma_start3A_395] : memref<100000x64xf32, #tpu.memory_space<hbm>> -> memref<100000x64xf32, #tpu.memory_space<hbm>>
      tpu.enqueue_indirect_dma source(%dma_start3A_396 : memref<100000x64xf32, #tpu.memory_space<hbm>>) target(%dma_start3A_390 : memref<256x64xf32, #tpu.memory_space<vmem>>) offsets(%dma_start3A_393 : memref<256xi32, #tpu.memory_space<vmem>>) semaphore(%arg8 : memref<!tpu.dma_semaphore, #tpu.memory_space<semaphore_mem>>)
      %mul3A_397 = arith.constant 5 : i32
      %mul3A_398 = arith.muli %scan3A_276, %mul3A_397 : i32
      %add3A_399 = arith.constant 2 : i32
      %add3A_400 = arith.addi %mul3A_398, %add3A_399 : i32
      %dma_wait3A_401 = arith.constant 2 : i32
      %dma_wait3A_402 = arith.constant 0 : i32
      %dma_wait3A_403 = arith.constant 0 : i32
      %dma_wait3A_404 = tpu.memref_slice %arg6[%dma_wait3A_401, %dma_wait3A_402, %dma_wait3A_403] : memref<5x256x64xf32, #tpu.memory_space<vmem>> -> memref<1x256x64xf32, #tpu.memory_space<vmem>>
      %dma_wait3A_405 = tpu.memref_squeeze %dma_wait3A_404 : memref<1x256x64xf32, #tpu.memory_space<vmem>> -> memref<256x64xf32, #tpu.memory_space<vmem>>
      %dma_wait3A_406 = arith.constant 0 : i32
      %dma_wait3A_407 = tpu.memref_slice %arg5[%add3A_400, %dma_wait3A_406] : memref<25x256xi32, #tpu.memory_space<vmem>> -> memref<1x256xi32, #tpu.memory_space<vmem>>
      %dma_wait3A_408 = tpu.memref_squeeze %dma_wait3A_407 : memref<1x256xi32, #tpu.memory_space<vmem>> -> memref<256xi32, #tpu.memory_space<vmem>>
      %dma_wait3A_409 = arith.constant 0 : i32
      %dma_wait3A_410 = arith.constant 0 : i32
      %dma_wait3A_411 = tpu.memref_slice %arg2[%dma_wait3A_409, %dma_wait3A_410] : memref<100000x64xf32, #tpu.memory_space<hbm>> -> memref<100000x64xf32, #tpu.memory_space<hbm>>
      tpu.wait_indirect_dma semaphore(%arg9 : memref<!tpu.dma_semaphore, #tpu.memory_space<semaphore_mem>>) src(%dma_wait3A_411 : memref<100000x64xf32, #tpu.memory_space<hbm>>) dst(%dma_wait3A_405 : memref<256x64xf32, #tpu.memory_space<vmem>>)
      %mul3A_412 = arith.constant 256 : i32
      %mul3A_413 = arith.muli %add3A_400, %mul3A_412 : i32
      %add3A_414 = arith.addi %mul3A_2, %mul3A_413 : i32
      %dma_start3A_415 = arith.constant 2 : i32
      %dma_start3A_416 = arith.constant 0 : i32
      %dma_start3A_417 = arith.constant 0 : i32
      %dma_start3A_418 = tpu.memref_slice %arg6[%dma_start3A_415, %dma_start3A_416, %dma_start3A_417] : memref<5x256x64xf32, #tpu.memory_space<vmem>> -> memref<1x256x64xf32, #tpu.memory_space<vmem>>
      %dma_start3A_419 = tpu.memref_squeeze %dma_start3A_418 : memref<1x256x64xf32, #tpu.memory_space<vmem>> -> memref<256x64xf32, #tpu.memory_space<vmem>>
      %dma_start3A_420 = arith.constant 0 : i32
      %dma_start3A_421 = tpu.memref_slice %arg4[%add3A_414, %dma_start3A_420] : memref<204800x64xf32, #tpu.memory_space<hbm>> -> memref<256x64xf32, #tpu.memory_space<hbm>>
      %dma_start3A_422 = arith.constant 0 : i32
      %dma_start3A_423 = tpu.memref_slice %arg4[%add3A_414, %dma_start3A_422] : memref<204800x64xf32, #tpu.memory_space<hbm>> -> memref<256x64xf32, #tpu.memory_space<hbm>>
      %dma_start3A_424 = arith.constant 0 : i32
      %dma_start3A_425 = arith.constant 0 : i32
      %dma_start3A_426 = tpu.memref_slice %arg6[%dma_start3A_415, %dma_start3A_424, %dma_start3A_425] : memref<5x256x64xf32, #tpu.memory_space<vmem>> -> memref<1x256x64xf32, #tpu.memory_space<vmem>>
      %dma_start3A_427 = tpu.memref_squeeze %dma_start3A_426 : memref<1x256x64xf32, #tpu.memory_space<vmem>> -> memref<256x64xf32, #tpu.memory_space<vmem>>
      tpu.enqueue_dma source(%dma_start3A_427 : memref<256x64xf32, #tpu.memory_space<vmem>>) target(%dma_start3A_423 : memref<256x64xf32, #tpu.memory_space<hbm>>) target_semaphore(%arg14 : memref<!tpu.dma_semaphore, #tpu.memory_space<semaphore_mem>>)
      %mul3A_428 = arith.constant 256 : i32
      %mul3A_429 = arith.muli %add3A_400, %mul3A_428 : i32
      %add3A_430 = arith.addi %mul3A_2, %mul3A_429 : i32
      %dma_wait3A_431 = arith.constant 2 : i32
      %dma_wait3A_432 = arith.constant 0 : i32
      %dma_wait3A_433 = arith.constant 0 : i32
      %dma_wait3A_434 = tpu.memref_slice %arg6[%dma_wait3A_431, %dma_wait3A_432, %dma_wait3A_433] : memref<5x256x64xf32, #tpu.memory_space<vmem>> -> memref<1x256x64xf32, #tpu.memory_space<vmem>>
      %dma_wait3A_435 = tpu.memref_squeeze %dma_wait3A_434 : memref<1x256x64xf32, #tpu.memory_space<vmem>> -> memref<256x64xf32, #tpu.memory_space<vmem>>
      %dma_wait3A_436 = arith.constant 0 : i32
      %dma_wait3A_437 = tpu.memref_slice %arg4[%add3A_430, %dma_wait3A_436] : memref<204800x64xf32, #tpu.memory_space<hbm>> -> memref<256x64xf32, #tpu.memory_space<hbm>>
      %dma_wait3A_438 = arith.constant 0 : i32
      %dma_wait3A_439 = tpu.memref_slice %arg4[%add3A_430, %dma_wait3A_438] : memref<204800x64xf32, #tpu.memory_space<hbm>> -> memref<256x64xf32, #tpu.memory_space<hbm>>
      %dma_wait3A_440 = arith.constant 0 : i32
      %dma_wait3A_441 = arith.constant 0 : i32
      %dma_wait3A_442 = tpu.memref_slice %arg6[%dma_wait3A_431, %dma_wait3A_440, %dma_wait3A_441] : memref<5x256x64xf32, #tpu.memory_space<vmem>> -> memref<1x256x64xf32, #tpu.memory_space<vmem>>
      %dma_wait3A_443 = tpu.memref_squeeze %dma_wait3A_442 : memref<1x256x64xf32, #tpu.memory_space<vmem>> -> memref<256x64xf32, #tpu.memory_space<vmem>>
      tpu.wait_dma2 semaphore(%arg14 : memref<!tpu.dma_semaphore, #tpu.memory_space<semaphore_mem>>) src(%dma_wait3A_443 : memref<256x64xf32, #tpu.memory_space<vmem>>) dst(%dma_wait3A_439 : memref<256x64xf32, #tpu.memory_space<hbm>>)
      %add3A_444 = arith.constant 5 : i32
      %add3A_445 = arith.addi %add3A_400, %add3A_444 : i32
      %dma_start3A_446 = arith.constant 2 : i32
      %dma_start3A_447 = arith.constant 0 : i32
      %dma_start3A_448 = arith.constant 0 : i32
      %dma_start3A_449 = tpu.memref_slice %arg6[%dma_start3A_446, %dma_start3A_447, %dma_start3A_448] : memref<5x256x64xf32, #tpu.memory_space<vmem>> -> memref<1x256x64xf32, #tpu.memory_space<vmem>>
      %dma_start3A_450 = tpu.memref_squeeze %dma_start3A_449 : memref<1x256x64xf32, #tpu.memory_space<vmem>> -> memref<256x64xf32, #tpu.memory_space<vmem>>
      %dma_start3A_451 = arith.constant 0 : i32
      %dma_start3A_452 = tpu.memref_slice %arg5[%add3A_445, %dma_start3A_451] : memref<25x256xi32, #tpu.memory_space<vmem>> -> memref<1x256xi32, #tpu.memory_space<vmem>>
      %dma_start3A_453 = tpu.memref_squeeze %dma_start3A_452 : memref<1x256xi32, #tpu.memory_space<vmem>> -> memref<256xi32, #tpu.memory_space<vmem>>
      %dma_start3A_454 = arith.constant 0 : i32
      %dma_start3A_455 = arith.constant 0 : i32
      %dma_start3A_456 = tpu.memref_slice %arg2[%dma_start3A_454, %dma_start3A_455] : memref<100000x64xf32, #tpu.memory_space<hbm>> -> memref<100000x64xf32, #tpu.memory_space<hbm>>
      tpu.enqueue_indirect_dma source(%dma_start3A_456 : memref<100000x64xf32, #tpu.memory_space<hbm>>) target(%dma_start3A_450 : memref<256x64xf32, #tpu.memory_space<vmem>>) offsets(%dma_start3A_453 : memref<256xi32, #tpu.memory_space<vmem>>) semaphore(%arg9 : memref<!tpu.dma_semaphore, #tpu.memory_space<semaphore_mem>>)
      %mul3A_457 = arith.constant 5 : i32
      %mul3A_458 = arith.muli %scan3A_276, %mul3A_457 : i32
      %add3A_459 = arith.constant 3 : i32
      %add3A_460 = arith.addi %mul3A_458, %add3A_459 : i32
      %dma_wait3A_461 = arith.constant 3 : i32
      %dma_wait3A_462 = arith.constant 0 : i32
      %dma_wait3A_463 = arith.constant 0 : i32
      %dma_wait3A_464 = tpu.memref_slice %arg6[%dma_wait3A_461, %dma_wait3A_462, %dma_wait3A_463] : memref<5x256x64xf32, #tpu.memory_space<vmem>> -> memref<1x256x64xf32, #tpu.memory_space<vmem>>
      %dma_wait3A_465 = tpu.memref_squeeze %dma_wait3A_464 : memref<1x256x64xf32, #tpu.memory_space<vmem>> -> memref<256x64xf32, #tpu.memory_space<vmem>>
      %dma_wait3A_466 = arith.constant 0 : i32
      %dma_wait3A_467 = tpu.memref_slice %arg5[%add3A_460, %dma_wait3A_466] : memref<25x256xi32, #tpu.memory_space<vmem>> -> memref<1x256xi32, #tpu.memory_space<vmem>>
      %dma_wait3A_468 = tpu.memref_squeeze %dma_wait3A_467 : memref<1x256xi32, #tpu.memory_space<vmem>> -> memref<256xi32, #tpu.memory_space<vmem>>
      %dma_wait3A_469 = arith.constant 0 : i32
      %dma_wait3A_470 = arith.constant 0 : i32
      %dma_wait3A_471 = tpu.memref_slice %arg2[%dma_wait3A_469, %dma_wait3A_470] : memref<100000x64xf32, #tpu.memory_space<hbm>> -> memref<100000x64xf32, #tpu.memory_space<hbm>>
      tpu.wait_indirect_dma semaphore(%arg10 : memref<!tpu.dma_semaphore, #tpu.memory_space<semaphore_mem>>) src(%dma_wait3A_471 : memref<100000x64xf32, #tpu.memory_space<hbm>>) dst(%dma_wait3A_465 : memref<256x64xf32, #tpu.memory_space<vmem>>)
      %mul3A_472 = arith.constant 256 : i32
      %mul3A_473 = arith.muli %add3A_460, %mul3A_472 : i32
      %add3A_474 = arith.addi %mul3A_2, %mul3A_473 : i32
      %dma_start3A_475 = arith.constant 3 : i32
      %dma_start3A_476 = arith.constant 0 : i32
      %dma_start3A_477 = arith.constant 0 : i32
      %dma_start3A_478 = tpu.memref_slice %arg6[%dma_start3A_475, %dma_start3A_476, %dma_start3A_477] : memref<5x256x64xf32, #tpu.memory_space<vmem>> -> memref<1x256x64xf32, #tpu.memory_space<vmem>>
      %dma_start3A_479 = tpu.memref_squeeze %dma_start3A_478 : memref<1x256x64xf32, #tpu.memory_space<vmem>> -> memref<256x64xf32, #tpu.memory_space<vmem>>
      %dma_start3A_480 = arith.constant 0 : i32
      %dma_start3A_481 = tpu.memref_slice %arg4[%add3A_474, %dma_start3A_480] : memref<204800x64xf32, #tpu.memory_space<hbm>> -> memref<256x64xf32, #tpu.memory_space<hbm>>
      %dma_start3A_482 = arith.constant 0 : i32
      %dma_start3A_483 = tpu.memref_slice %arg4[%add3A_474, %dma_start3A_482] : memref<204800x64xf32, #tpu.memory_space<hbm>> -> memref<256x64xf32, #tpu.memory_space<hbm>>
      %dma_start3A_484 = arith.constant 0 : i32
      %dma_start3A_485 = arith.constant 0 : i32
      %dma_start3A_486 = tpu.memref_slice %arg6[%dma_start3A_475, %dma_start3A_484, %dma_start3A_485] : memref<5x256x64xf32, #tpu.memory_space<vmem>> -> memref<1x256x64xf32, #tpu.memory_space<vmem>>
      %dma_start3A_487 = tpu.memref_squeeze %dma_start3A_486 : memref<1x256x64xf32, #tpu.memory_space<vmem>> -> memref<256x64xf32, #tpu.memory_space<vmem>>
      tpu.enqueue_dma source(%dma_start3A_487 : memref<256x64xf32, #tpu.memory_space<vmem>>) target(%dma_start3A_483 : memref<256x64xf32, #tpu.memory_space<hbm>>) target_semaphore(%arg15 : memref<!tpu.dma_semaphore, #tpu.memory_space<semaphore_mem>>)
      %mul3A_488 = arith.constant 256 : i32
      %mul3A_489 = arith.muli %add3A_460, %mul3A_488 : i32
      %add3A_490 = arith.addi %mul3A_2, %mul3A_489 : i32
      %dma_wait3A_491 = arith.constant 3 : i32
      %dma_wait3A_492 = arith.constant 0 : i32
      %dma_wait3A_493 = arith.constant 0 : i32
      %dma_wait3A_494 = tpu.memref_slice %arg6[%dma_wait3A_491, %dma_wait3A_492, %dma_wait3A_493] : memref<5x256x64xf32, #tpu.memory_space<vmem>> -> memref<1x256x64xf32, #tpu.memory_space<vmem>>
      %dma_wait3A_495 = tpu.memref_squeeze %dma_wait3A_494 : memref<1x256x64xf32, #tpu.memory_space<vmem>> -> memref<256x64xf32, #tpu.memory_space<vmem>>
      %dma_wait3A_496 = arith.constant 0 : i32
      %dma_wait3A_497 = tpu.memref_slice %arg4[%add3A_490, %dma_wait3A_496] : memref<204800x64xf32, #tpu.memory_space<hbm>> -> memref<256x64xf32, #tpu.memory_space<hbm>>
      %dma_wait3A_498 = arith.constant 0 : i32
      %dma_wait3A_499 = tpu.memref_slice %arg4[%add3A_490, %dma_wait3A_498] : memref<204800x64xf32, #tpu.memory_space<hbm>> -> memref<256x64xf32, #tpu.memory_space<hbm>>
      %dma_wait3A_500 = arith.constant 0 : i32
      %dma_wait3A_501 = arith.constant 0 : i32
      %dma_wait3A_502 = tpu.memref_slice %arg6[%dma_wait3A_491, %dma_wait3A_500, %dma_wait3A_501] : memref<5x256x64xf32, #tpu.memory_space<vmem>> -> memref<1x256x64xf32, #tpu.memory_space<vmem>>
      %dma_wait3A_503 = tpu.memref_squeeze %dma_wait3A_502 : memref<1x256x64xf32, #tpu.memory_space<vmem>> -> memref<256x64xf32, #tpu.memory_space<vmem>>
      tpu.wait_dma2 semaphore(%arg15 : memref<!tpu.dma_semaphore, #tpu.memory_space<semaphore_mem>>) src(%dma_wait3A_503 : memref<256x64xf32, #tpu.memory_space<vmem>>) dst(%dma_wait3A_499 : memref<256x64xf32, #tpu.memory_space<hbm>>)
      %add3A_504 = arith.constant 5 : i32
      %add3A_505 = arith.addi %add3A_460, %add3A_504 : i32
      %dma_start3A_506 = arith.constant 3 : i32
      %dma_start3A_507 = arith.constant 0 : i32
      %dma_start3A_508 = arith.constant 0 : i32
      %dma_start3A_509 = tpu.memref_slice %arg6[%dma_start3A_506, %dma_start3A_507, %dma_start3A_508] : memref<5x256x64xf32, #tpu.memory_space<vmem>> -> memref<1x256x64xf32, #tpu.memory_space<vmem>>
      %dma_start3A_510 = tpu.memref_squeeze %dma_start3A_509 : memref<1x256x64xf32, #tpu.memory_space<vmem>> -> memref<256x64xf32, #tpu.memory_space<vmem>>
      %dma_start3A_511 = arith.constant 0 : i32
      %dma_start3A_512 = tpu.memref_slice %arg5[%add3A_505, %dma_start3A_511] : memref<25x256xi32, #tpu.memory_space<vmem>> -> memref<1x256xi32, #tpu.memory_space<vmem>>
      %dma_start3A_513 = tpu.memref_squeeze %dma_start3A_512 : memref<1x256xi32, #tpu.memory_space<vmem>> -> memref<256xi32, #tpu.memory_space<vmem>>
      %dma_start3A_514 = arith.constant 0 : i32
      %dma_start3A_515 = arith.constant 0 : i32
      %dma_start3A_516 = tpu.memref_slice %arg2[%dma_start3A_514, %dma_start3A_515] : memref<100000x64xf32, #tpu.memory_space<hbm>> -> memref<100000x64xf32, #tpu.memory_space<hbm>>
      tpu.enqueue_indirect_dma source(%dma_start3A_516 : memref<100000x64xf32, #tpu.memory_space<hbm>>) target(%dma_start3A_510 : memref<256x64xf32, #tpu.memory_space<vmem>>) offsets(%dma_start3A_513 : memref<256xi32, #tpu.memory_space<vmem>>) semaphore(%arg10 : memref<!tpu.dma_semaphore, #tpu.memory_space<semaphore_mem>>)
      %mul3A_517 = arith.constant 5 : i32
      %mul3A_518 = arith.muli %scan3A_276, %mul3A_517 : i32
      %add3A_519 = arith.constant 4 : i32
      %add3A_520 = arith.addi %mul3A_518, %add3A_519 : i32
      %dma_wait3A_521 = arith.constant 4 : i32
      %dma_wait3A_522 = arith.constant 0 : i32
      %dma_wait3A_523 = arith.constant 0 : i32
      %dma_wait3A_524 = tpu.memref_slice %arg6[%dma_wait3A_521, %dma_wait3A_522, %dma_wait3A_523] : memref<5x256x64xf32, #tpu.memory_space<vmem>> -> memref<1x256x64xf32, #tpu.memory_space<vmem>>
      %dma_wait3A_525 = tpu.memref_squeeze %dma_wait3A_524 : memref<1x256x64xf32, #tpu.memory_space<vmem>> -> memref<256x64xf32, #tpu.memory_space<vmem>>
      %dma_wait3A_526 = arith.constant 0 : i32
      %dma_wait3A_527 = tpu.memref_slice %arg5[%add3A_520, %dma_wait3A_526] : memref<25x256xi32, #tpu.memory_space<vmem>> -> memref<1x256xi32, #tpu.memory_space<vmem>>
      %dma_wait3A_528 = tpu.memref_squeeze %dma_wait3A_527 : memref<1x256xi32, #tpu.memory_space<vmem>> -> memref<256xi32, #tpu.memory_space<vmem>>
      %dma_wait3A_529 = arith.constant 0 : i32
      %dma_wait3A_530 = arith.constant 0 : i32
      %dma_wait3A_531 = tpu.memref_slice %arg2[%dma_wait3A_529, %dma_wait3A_530] : memref<100000x64xf32, #tpu.memory_space<hbm>> -> memref<100000x64xf32, #tpu.memory_space<hbm>>
      tpu.wait_indirect_dma semaphore(%arg11 : memref<!tpu.dma_semaphore, #tpu.memory_space<semaphore_mem>>) src(%dma_wait3A_531 : memref<100000x64xf32, #tpu.memory_space<hbm>>) dst(%dma_wait3A_525 : memref<256x64xf32, #tpu.memory_space<vmem>>)
      %mul3A_532 = arith.constant 256 : i32
      %mul3A_533 = arith.muli %add3A_520, %mul3A_532 : i32
      %add3A_534 = arith.addi %mul3A_2, %mul3A_533 : i32
      %dma_start3A_535 = arith.constant 4 : i32
      %dma_start3A_536 = arith.constant 0 : i32
      %dma_start3A_537 = arith.constant 0 : i32
      %dma_start3A_538 = tpu.memref_slice %arg6[%dma_start3A_535, %dma_start3A_536, %dma_start3A_537] : memref<5x256x64xf32, #tpu.memory_space<vmem>> -> memref<1x256x64xf32, #tpu.memory_space<vmem>>
      %dma_start3A_539 = tpu.memref_squeeze %dma_start3A_538 : memref<1x256x64xf32, #tpu.memory_space<vmem>> -> memref<256x64xf32, #tpu.memory_space<vmem>>
      %dma_start3A_540 = arith.constant 0 : i32
      %dma_start3A_541 = tpu.memref_slice %arg4[%add3A_534, %dma_start3A_540] : memref<204800x64xf32, #tpu.memory_space<hbm>> -> memref<256x64xf32, #tpu.memory_space<hbm>>
      %dma_start3A_542 = arith.constant 0 : i32
      %dma_start3A_543 = tpu.memref_slice %arg4[%add3A_534, %dma_start3A_542] : memref<204800x64xf32, #tpu.memory_space<hbm>> -> memref<256x64xf32, #tpu.memory_space<hbm>>
      %dma_start3A_544 = arith.constant 0 : i32
      %dma_start3A_545 = arith.constant 0 : i32
      %dma_start3A_546 = tpu.memref_slice %arg6[%dma_start3A_535, %dma_start3A_544, %dma_start3A_545] : memref<5x256x64xf32, #tpu.memory_space<vmem>> -> memref<1x256x64xf32, #tpu.memory_space<vmem>>
      %dma_start3A_547 = tpu.memref_squeeze %dma_start3A_546 : memref<1x256x64xf32, #tpu.memory_space<vmem>> -> memref<256x64xf32, #tpu.memory_space<vmem>>
      tpu.enqueue_dma source(%dma_start3A_547 : memref<256x64xf32, #tpu.memory_space<vmem>>) target(%dma_start3A_543 : memref<256x64xf32, #tpu.memory_space<hbm>>) target_semaphore(%arg16 : memref<!tpu.dma_semaphore, #tpu.memory_space<semaphore_mem>>)
      %mul3A_548 = arith.constant 256 : i32
      %mul3A_549 = arith.muli %add3A_520, %mul3A_548 : i32
      %add3A_550 = arith.addi %mul3A_2, %mul3A_549 : i32
      %dma_wait3A_551 = arith.constant 4 : i32
      %dma_wait3A_552 = arith.constant 0 : i32
      %dma_wait3A_553 = arith.constant 0 : i32
      %dma_wait3A_554 = tpu.memref_slice %arg6[%dma_wait3A_551, %dma_wait3A_552, %dma_wait3A_553] : memref<5x256x64xf32, #tpu.memory_space<vmem>> -> memref<1x256x64xf32, #tpu.memory_space<vmem>>
      %dma_wait3A_555 = tpu.memref_squeeze %dma_wait3A_554 : memref<1x256x64xf32, #tpu.memory_space<vmem>> -> memref<256x64xf32, #tpu.memory_space<vmem>>
      %dma_wait3A_556 = arith.constant 0 : i32
      %dma_wait3A_557 = tpu.memref_slice %arg4[%add3A_550, %dma_wait3A_556] : memref<204800x64xf32, #tpu.memory_space<hbm>> -> memref<256x64xf32, #tpu.memory_space<hbm>>
      %dma_wait3A_558 = arith.constant 0 : i32
      %dma_wait3A_559 = tpu.memref_slice %arg4[%add3A_550, %dma_wait3A_558] : memref<204800x64xf32, #tpu.memory_space<hbm>> -> memref<256x64xf32, #tpu.memory_space<hbm>>
      %dma_wait3A_560 = arith.constant 0 : i32
      %dma_wait3A_561 = arith.constant 0 : i32
      %dma_wait3A_562 = tpu.memref_slice %arg6[%dma_wait3A_551, %dma_wait3A_560, %dma_wait3A_561] : memref<5x256x64xf32, #tpu.memory_space<vmem>> -> memref<1x256x64xf32, #tpu.memory_space<vmem>>
      %dma_wait3A_563 = tpu.memref_squeeze %dma_wait3A_562 : memref<1x256x64xf32, #tpu.memory_space<vmem>> -> memref<256x64xf32, #tpu.memory_space<vmem>>
      tpu.wait_dma2 semaphore(%arg16 : memref<!tpu.dma_semaphore, #tpu.memory_space<semaphore_mem>>) src(%dma_wait3A_563 : memref<256x64xf32, #tpu.memory_space<vmem>>) dst(%dma_wait3A_559 : memref<256x64xf32, #tpu.memory_space<hbm>>)
      %add3A_564 = arith.constant 5 : i32
      %add3A_565 = arith.addi %add3A_520, %add3A_564 : i32
      %dma_start3A_566 = arith.constant 4 : i32
      %dma_start3A_567 = arith.constant 0 : i32
      %dma_start3A_568 = arith.constant 0 : i32
      %dma_start3A_569 = tpu.memref_slice %arg6[%dma_start3A_566, %dma_start3A_567, %dma_start3A_568] : memref<5x256x64xf32, #tpu.memory_space<vmem>> -> memref<1x256x64xf32, #tpu.memory_space<vmem>>
      %dma_start3A_570 = tpu.memref_squeeze %dma_start3A_569 : memref<1x256x64xf32, #tpu.memory_space<vmem>> -> memref<256x64xf32, #tpu.memory_space<vmem>>
      %dma_start3A_571 = arith.constant 0 : i32
      %dma_start3A_572 = tpu.memref_slice %arg5[%add3A_565, %dma_start3A_571] : memref<25x256xi32, #tpu.memory_space<vmem>> -> memref<1x256xi32, #tpu.memory_space<vmem>>
      %dma_start3A_573 = tpu.memref_squeeze %dma_start3A_572 : memref<1x256xi32, #tpu.memory_space<vmem>> -> memref<256xi32, #tpu.memory_space<vmem>>
      %dma_start3A_574 = arith.constant 0 : i32
      %dma_start3A_575 = arith.constant 0 : i32
      %dma_start3A_576 = tpu.memref_slice %arg2[%dma_start3A_574, %dma_start3A_575] : memref<100000x64xf32, #tpu.memory_space<hbm>> -> memref<100000x64xf32, #tpu.memory_space<hbm>>
      tpu.enqueue_indirect_dma source(%dma_start3A_576 : memref<100000x64xf32, #tpu.memory_space<hbm>>) target(%dma_start3A_570 : memref<256x64xf32, #tpu.memory_space<vmem>>) offsets(%dma_start3A_573 : memref<256xi32, #tpu.memory_space<vmem>>) semaphore(%arg11 : memref<!tpu.dma_semaphore, #tpu.memory_space<semaphore_mem>>)
    }
    %scan3A_66 = arith.constant 4 : i32
    %dma_wait3A = arith.constant 20 : i32
    %dma_wait3A_67 = arith.constant 0 : i32
    %dma_wait3A_68 = arith.constant 0 : i32
    %dma_wait3A_69 = arith.constant 0 : i32
    %dma_wait3A_70 = tpu.memref_slice %arg6[%dma_wait3A_67, %dma_wait3A_68, %dma_wait3A_69] : memref<5x256x64xf32, #tpu.memory_space<vmem>> -> memref<1x256x64xf32, #tpu.memory_space<vmem>>
    %dma_wait3A_71 = tpu.memref_squeeze %dma_wait3A_70 : memref<1x256x64xf32, #tpu.memory_space<vmem>> -> memref<256x64xf32, #tpu.memory_space<vmem>>
    %dma_wait3A_72 = arith.constant 0 : i32
    %dma_wait3A_73 = tpu.memref_slice %arg5[%dma_wait3A, %dma_wait3A_72] : memref<25x256xi32, #tpu.memory_space<vmem>> -> memref<1x256xi32, #tpu.memory_space<vmem>>
    %dma_wait3A_74 = tpu.memref_squeeze %dma_wait3A_73 : memref<1x256xi32, #tpu.memory_space<vmem>> -> memref<256xi32, #tpu.memory_space<vmem>>
    %dma_wait3A_75 = arith.constant 0 : i32
    %dma_wait3A_76 = arith.constant 0 : i32
    %dma_wait3A_77 = tpu.memref_slice %arg2[%dma_wait3A_75, %dma_wait3A_76] : memref<100000x64xf32, #tpu.memory_space<hbm>> -> memref<100000x64xf32, #tpu.memory_space<hbm>>
    tpu.wait_indirect_dma semaphore(%arg7 : memref<!tpu.dma_semaphore, #tpu.memory_space<semaphore_mem>>) src(%dma_wait3A_77 : memref<100000x64xf32, #tpu.memory_space<hbm>>) dst(%dma_wait3A_71 : memref<256x64xf32, #tpu.memory_space<vmem>>)
    %add3A_78 = arith.constant 5120 : i32
    %add3A_79 = arith.addi %mul3A_2, %add3A_78 : i32
    %dma_start3A_80 = arith.constant 0 : i32
    %dma_start3A_81 = arith.constant 0 : i32
    %dma_start3A_82 = arith.constant 0 : i32
    %dma_start3A_83 = tpu.memref_slice %arg6[%dma_start3A_80, %dma_start3A_81, %dma_start3A_82] : memref<5x256x64xf32, #tpu.memory_space<vmem>> -> memref<1x256x64xf32, #tpu.memory_space<vmem>>
    %dma_start3A_84 = tpu.memref_squeeze %dma_start3A_83 : memref<1x256x64xf32, #tpu.memory_space<vmem>> -> memref<256x64xf32, #tpu.memory_space<vmem>>
    %dma_start3A_85 = arith.constant 0 : i32
    %dma_start3A_86 = tpu.memref_slice %arg4[%add3A_79, %dma_start3A_85] : memref<204800x64xf32, #tpu.memory_space<hbm>> -> memref<256x64xf32, #tpu.memory_space<hbm>>
    %dma_start3A_87 = arith.constant 0 : i32
    %dma_start3A_88 = tpu.memref_slice %arg4[%add3A_79, %dma_start3A_87] : memref<204800x64xf32, #tpu.memory_space<hbm>> -> memref<256x64xf32, #tpu.memory_space<hbm>>
    %dma_start3A_89 = arith.constant 0 : i32
    %dma_start3A_90 = arith.constant 0 : i32
    %dma_start3A_91 = tpu.memref_slice %arg6[%dma_start3A_80, %dma_start3A_89, %dma_start3A_90] : memref<5x256x64xf32, #tpu.memory_space<vmem>> -> memref<1x256x64xf32, #tpu.memory_space<vmem>>
    %dma_start3A_92 = tpu.memref_squeeze %dma_start3A_91 : memref<1x256x64xf32, #tpu.memory_space<vmem>> -> memref<256x64xf32, #tpu.memory_space<vmem>>
    tpu.enqueue_dma source(%dma_start3A_92 : memref<256x64xf32, #tpu.memory_space<vmem>>) target(%dma_start3A_88 : memref<256x64xf32, #tpu.memory_space<hbm>>) target_semaphore(%arg12 : memref<!tpu.dma_semaphore, #tpu.memory_space<semaphore_mem>>)
    %dma_wait3A_93 = arith.constant 21 : i32
    %dma_wait3A_94 = arith.constant 1 : i32
    %dma_wait3A_95 = arith.constant 0 : i32
    %dma_wait3A_96 = arith.constant 0 : i32
    %dma_wait3A_97 = tpu.memref_slice %arg6[%dma_wait3A_94, %dma_wait3A_95, %dma_wait3A_96] : memref<5x256x64xf32, #tpu.memory_space<vmem>> -> memref<1x256x64xf32, #tpu.memory_space<vmem>>
    %dma_wait3A_98 = tpu.memref_squeeze %dma_wait3A_97 : memref<1x256x64xf32, #tpu.memory_space<vmem>> -> memref<256x64xf32, #tpu.memory_space<vmem>>
    %dma_wait3A_99 = arith.constant 0 : i32
    %dma_wait3A_100 = tpu.memref_slice %arg5[%dma_wait3A_93, %dma_wait3A_99] : memref<25x256xi32, #tpu.memory_space<vmem>> -> memref<1x256xi32, #tpu.memory_space<vmem>>
    %dma_wait3A_101 = tpu.memref_squeeze %dma_wait3A_100 : memref<1x256xi32, #tpu.memory_space<vmem>> -> memref<256xi32, #tpu.memory_space<vmem>>
    %dma_wait3A_102 = arith.constant 0 : i32
    %dma_wait3A_103 = arith.constant 0 : i32
    %dma_wait3A_104 = tpu.memref_slice %arg2[%dma_wait3A_102, %dma_wait3A_103] : memref<100000x64xf32, #tpu.memory_space<hbm>> -> memref<100000x64xf32, #tpu.memory_space<hbm>>
    tpu.wait_indirect_dma semaphore(%arg8 : memref<!tpu.dma_semaphore, #tpu.memory_space<semaphore_mem>>) src(%dma_wait3A_104 : memref<100000x64xf32, #tpu.memory_space<hbm>>) dst(%dma_wait3A_98 : memref<256x64xf32, #tpu.memory_space<vmem>>)
    %add3A_105 = arith.constant 5376 : i32
    %add3A_106 = arith.addi %mul3A_2, %add3A_105 : i32
    %dma_start3A_107 = arith.constant 1 : i32
    %dma_start3A_108 = arith.constant 0 : i32
    %dma_start3A_109 = arith.constant 0 : i32
    %dma_start3A_110 = tpu.memref_slice %arg6[%dma_start3A_107, %dma_start3A_108, %dma_start3A_109] : memref<5x256x64xf32, #tpu.memory_space<vmem>> -> memref<1x256x64xf32, #tpu.memory_space<vmem>>
    %dma_start3A_111 = tpu.memref_squeeze %dma_start3A_110 : memref<1x256x64xf32, #tpu.memory_space<vmem>> -> memref<256x64xf32, #tpu.memory_space<vmem>>
    %dma_start3A_112 = arith.constant 0 : i32
    %dma_start3A_113 = tpu.memref_slice %arg4[%add3A_106, %dma_start3A_112] : memref<204800x64xf32, #tpu.memory_space<hbm>> -> memref<256x64xf32, #tpu.memory_space<hbm>>
    %dma_start3A_114 = arith.constant 0 : i32
    %dma_start3A_115 = tpu.memref_slice %arg4[%add3A_106, %dma_start3A_114] : memref<204800x64xf32, #tpu.memory_space<hbm>> -> memref<256x64xf32, #tpu.memory_space<hbm>>
    %dma_start3A_116 = arith.constant 0 : i32
    %dma_start3A_117 = arith.constant 0 : i32
    %dma_start3A_118 = tpu.memref_slice %arg6[%dma_start3A_107, %dma_start3A_116, %dma_start3A_117] : memref<5x256x64xf32, #tpu.memory_space<vmem>> -> memref<1x256x64xf32, #tpu.memory_space<vmem>>
    %dma_start3A_119 = tpu.memref_squeeze %dma_start3A_118 : memref<1x256x64xf32, #tpu.memory_space<vmem>> -> memref<256x64xf32, #tpu.memory_space<vmem>>
    tpu.enqueue_dma source(%dma_start3A_119 : memref<256x64xf32, #tpu.memory_space<vmem>>) target(%dma_start3A_115 : memref<256x64xf32, #tpu.memory_space<hbm>>) target_semaphore(%arg13 : memref<!tpu.dma_semaphore, #tpu.memory_space<semaphore_mem>>)
    %dma_wait3A_120 = arith.constant 22 : i32
    %dma_wait3A_121 = arith.constant 2 : i32
    %dma_wait3A_122 = arith.constant 0 : i32
    %dma_wait3A_123 = arith.constant 0 : i32
    %dma_wait3A_124 = tpu.memref_slice %arg6[%dma_wait3A_121, %dma_wait3A_122, %dma_wait3A_123] : memref<5x256x64xf32, #tpu.memory_space<vmem>> -> memref<1x256x64xf32, #tpu.memory_space<vmem>>
    %dma_wait3A_125 = tpu.memref_squeeze %dma_wait3A_124 : memref<1x256x64xf32, #tpu.memory_space<vmem>> -> memref<256x64xf32, #tpu.memory_space<vmem>>
    %dma_wait3A_126 = arith.constant 0 : i32
    %dma_wait3A_127 = tpu.memref_slice %arg5[%dma_wait3A_120, %dma_wait3A_126] : memref<25x256xi32, #tpu.memory_space<vmem>> -> memref<1x256xi32, #tpu.memory_space<vmem>>
    %dma_wait3A_128 = tpu.memref_squeeze %dma_wait3A_127 : memref<1x256xi32, #tpu.memory_space<vmem>> -> memref<256xi32, #tpu.memory_space<vmem>>
    %dma_wait3A_129 = arith.constant 0 : i32
    %dma_wait3A_130 = arith.constant 0 : i32
    %dma_wait3A_131 = tpu.memref_slice %arg2[%dma_wait3A_129, %dma_wait3A_130] : memref<100000x64xf32, #tpu.memory_space<hbm>> -> memref<100000x64xf32, #tpu.memory_space<hbm>>
    tpu.wait_indirect_dma semaphore(%arg9 : memref<!tpu.dma_semaphore, #tpu.memory_space<semaphore_mem>>) src(%dma_wait3A_131 : memref<100000x64xf32, #tpu.memory_space<hbm>>) dst(%dma_wait3A_125 : memref<256x64xf32, #tpu.memory_space<vmem>>)
    %add3A_132 = arith.constant 5632 : i32
    %add3A_133 = arith.addi %mul3A_2, %add3A_132 : i32
    %dma_start3A_134 = arith.constant 2 : i32
    %dma_start3A_135 = arith.constant 0 : i32
    %dma_start3A_136 = arith.constant 0 : i32
    %dma_start3A_137 = tpu.memref_slice %arg6[%dma_start3A_134, %dma_start3A_135, %dma_start3A_136] : memref<5x256x64xf32, #tpu.memory_space<vmem>> -> memref<1x256x64xf32, #tpu.memory_space<vmem>>
    %dma_start3A_138 = tpu.memref_squeeze %dma_start3A_137 : memref<1x256x64xf32, #tpu.memory_space<vmem>> -> memref<256x64xf32, #tpu.memory_space<vmem>>
    %dma_start3A_139 = arith.constant 0 : i32
    %dma_start3A_140 = tpu.memref_slice %arg4[%add3A_133, %dma_start3A_139] : memref<204800x64xf32, #tpu.memory_space<hbm>> -> memref<256x64xf32, #tpu.memory_space<hbm>>
    %dma_start3A_141 = arith.constant 0 : i32
    %dma_start3A_142 = tpu.memref_slice %arg4[%add3A_133, %dma_start3A_141] : memref<204800x64xf32, #tpu.memory_space<hbm>> -> memref<256x64xf32, #tpu.memory_space<hbm>>
    %dma_start3A_143 = arith.constant 0 : i32
    %dma_start3A_144 = arith.constant 0 : i32
    %dma_start3A_145 = tpu.memref_slice %arg6[%dma_start3A_134, %dma_start3A_143, %dma_start3A_144] : memref<5x256x64xf32, #tpu.memory_space<vmem>> -> memref<1x256x64xf32, #tpu.memory_space<vmem>>
    %dma_start3A_146 = tpu.memref_squeeze %dma_start3A_145 : memref<1x256x64xf32, #tpu.memory_space<vmem>> -> memref<256x64xf32, #tpu.memory_space<vmem>>
    tpu.enqueue_dma source(%dma_start3A_146 : memref<256x64xf32, #tpu.memory_space<vmem>>) target(%dma_start3A_142 : memref<256x64xf32, #tpu.memory_space<hbm>>) target_semaphore(%arg14 : memref<!tpu.dma_semaphore, #tpu.memory_space<semaphore_mem>>)
    %dma_wait3A_147 = arith.constant 23 : i32
    %dma_wait3A_148 = arith.constant 3 : i32
    %dma_wait3A_149 = arith.constant 0 : i32
    %dma_wait3A_150 = arith.constant 0 : i32
    %dma_wait3A_151 = tpu.memref_slice %arg6[%dma_wait3A_148, %dma_wait3A_149, %dma_wait3A_150] : memref<5x256x64xf32, #tpu.memory_space<vmem>> -> memref<1x256x64xf32, #tpu.memory_space<vmem>>
    %dma_wait3A_152 = tpu.memref_squeeze %dma_wait3A_151 : memref<1x256x64xf32, #tpu.memory_space<vmem>> -> memref<256x64xf32, #tpu.memory_space<vmem>>
    %dma_wait3A_153 = arith.constant 0 : i32
    %dma_wait3A_154 = tpu.memref_slice %arg5[%dma_wait3A_147, %dma_wait3A_153] : memref<25x256xi32, #tpu.memory_space<vmem>> -> memref<1x256xi32, #tpu.memory_space<vmem>>
    %dma_wait3A_155 = tpu.memref_squeeze %dma_wait3A_154 : memref<1x256xi32, #tpu.memory_space<vmem>> -> memref<256xi32, #tpu.memory_space<vmem>>
    %dma_wait3A_156 = arith.constant 0 : i32
    %dma_wait3A_157 = arith.constant 0 : i32
    %dma_wait3A_158 = tpu.memref_slice %arg2[%dma_wait3A_156, %dma_wait3A_157] : memref<100000x64xf32, #tpu.memory_space<hbm>> -> memref<100000x64xf32, #tpu.memory_space<hbm>>
    tpu.wait_indirect_dma semaphore(%arg10 : memref<!tpu.dma_semaphore, #tpu.memory_space<semaphore_mem>>) src(%dma_wait3A_158 : memref<100000x64xf32, #tpu.memory_space<hbm>>) dst(%dma_wait3A_152 : memref<256x64xf32, #tpu.memory_space<vmem>>)
    %add3A_159 = arith.constant 5888 : i32
    %add3A_160 = arith.addi %mul3A_2, %add3A_159 : i32
    %dma_start3A_161 = arith.constant 3 : i32
    %dma_start3A_162 = arith.constant 0 : i32
    %dma_start3A_163 = arith.constant 0 : i32
    %dma_start3A_164 = tpu.memref_slice %arg6[%dma_start3A_161, %dma_start3A_162, %dma_start3A_163] : memref<5x256x64xf32, #tpu.memory_space<vmem>> -> memref<1x256x64xf32, #tpu.memory_space<vmem>>
    %dma_start3A_165 = tpu.memref_squeeze %dma_start3A_164 : memref<1x256x64xf32, #tpu.memory_space<vmem>> -> memref<256x64xf32, #tpu.memory_space<vmem>>
    %dma_start3A_166 = arith.constant 0 : i32
    %dma_start3A_167 = tpu.memref_slice %arg4[%add3A_160, %dma_start3A_166] : memref<204800x64xf32, #tpu.memory_space<hbm>> -> memref<256x64xf32, #tpu.memory_space<hbm>>
    %dma_start3A_168 = arith.constant 0 : i32
    %dma_start3A_169 = tpu.memref_slice %arg4[%add3A_160, %dma_start3A_168] : memref<204800x64xf32, #tpu.memory_space<hbm>> -> memref<256x64xf32, #tpu.memory_space<hbm>>
    %dma_start3A_170 = arith.constant 0 : i32
    %dma_start3A_171 = arith.constant 0 : i32
    %dma_start3A_172 = tpu.memref_slice %arg6[%dma_start3A_161, %dma_start3A_170, %dma_start3A_171] : memref<5x256x64xf32, #tpu.memory_space<vmem>> -> memref<1x256x64xf32, #tpu.memory_space<vmem>>
    %dma_start3A_173 = tpu.memref_squeeze %dma_start3A_172 : memref<1x256x64xf32, #tpu.memory_space<vmem>> -> memref<256x64xf32, #tpu.memory_space<vmem>>
    tpu.enqueue_dma source(%dma_start3A_173 : memref<256x64xf32, #tpu.memory_space<vmem>>) target(%dma_start3A_169 : memref<256x64xf32, #tpu.memory_space<hbm>>) target_semaphore(%arg15 : memref<!tpu.dma_semaphore, #tpu.memory_space<semaphore_mem>>)
    %dma_wait3A_174 = arith.constant 24 : i32
    %dma_wait3A_175 = arith.constant 4 : i32
    %dma_wait3A_176 = arith.constant 0 : i32
    %dma_wait3A_177 = arith.constant 0 : i32
    %dma_wait3A_178 = tpu.memref_slice %arg6[%dma_wait3A_175, %dma_wait3A_176, %dma_wait3A_177] : memref<5x256x64xf32, #tpu.memory_space<vmem>> -> memref<1x256x64xf32, #tpu.memory_space<vmem>>
    %dma_wait3A_179 = tpu.memref_squeeze %dma_wait3A_178 : memref<1x256x64xf32, #tpu.memory_space<vmem>> -> memref<256x64xf32, #tpu.memory_space<vmem>>
    %dma_wait3A_180 = arith.constant 0 : i32
    %dma_wait3A_181 = tpu.memref_slice %arg5[%dma_wait3A_174, %dma_wait3A_180] : memref<25x256xi32, #tpu.memory_space<vmem>> -> memref<1x256xi32, #tpu.memory_space<vmem>>
    %dma_wait3A_182 = tpu.memref_squeeze %dma_wait3A_181 : memref<1x256xi32, #tpu.memory_space<vmem>> -> memref<256xi32, #tpu.memory_space<vmem>>
    %dma_wait3A_183 = arith.constant 0 : i32
    %dma_wait3A_184 = arith.constant 0 : i32
    %dma_wait3A_185 = tpu.memref_slice %arg2[%dma_wait3A_183, %dma_wait3A_184] : memref<100000x64xf32, #tpu.memory_space<hbm>> -> memref<100000x64xf32, #tpu.memory_space<hbm>>
    tpu.wait_indirect_dma semaphore(%arg11 : memref<!tpu.dma_semaphore, #tpu.memory_space<semaphore_mem>>) src(%dma_wait3A_185 : memref<100000x64xf32, #tpu.memory_space<hbm>>) dst(%dma_wait3A_179 : memref<256x64xf32, #tpu.memory_space<vmem>>)
    %add3A_186 = arith.constant 6144 : i32
    %add3A_187 = arith.addi %mul3A_2, %add3A_186 : i32
    %dma_start3A_188 = arith.constant 4 : i32
    %dma_start3A_189 = arith.constant 0 : i32
    %dma_start3A_190 = arith.constant 0 : i32
    %dma_start3A_191 = tpu.memref_slice %arg6[%dma_start3A_188, %dma_start3A_189, %dma_start3A_190] : memref<5x256x64xf32, #tpu.memory_space<vmem>> -> memref<1x256x64xf32, #tpu.memory_space<vmem>>
    %dma_start3A_192 = tpu.memref_squeeze %dma_start3A_191 : memref<1x256x64xf32, #tpu.memory_space<vmem>> -> memref<256x64xf32, #tpu.memory_space<vmem>>
    %dma_start3A_193 = arith.constant 0 : i32
    %dma_start3A_194 = tpu.memref_slice %arg4[%add3A_187, %dma_start3A_193] : memref<204800x64xf32, #tpu.memory_space<hbm>> -> memref<256x64xf32, #tpu.memory_space<hbm>>
    %dma_start3A_195 = arith.constant 0 : i32
    %dma_start3A_196 = tpu.memref_slice %arg4[%add3A_187, %dma_start3A_195] : memref<204800x64xf32, #tpu.memory_space<hbm>> -> memref<256x64xf32, #tpu.memory_space<hbm>>
    %dma_start3A_197 = arith.constant 0 : i32
    %dma_start3A_198 = arith.constant 0 : i32
    %dma_start3A_199 = tpu.memref_slice %arg6[%dma_start3A_188, %dma_start3A_197, %dma_start3A_198] : memref<5x256x64xf32, #tpu.memory_space<vmem>> -> memref<1x256x64xf32, #tpu.memory_space<vmem>>
    %dma_start3A_200 = tpu.memref_squeeze %dma_start3A_199 : memref<1x256x64xf32, #tpu.memory_space<vmem>> -> memref<256x64xf32, #tpu.memory_space<vmem>>
    tpu.enqueue_dma source(%dma_start3A_200 : memref<256x64xf32, #tpu.memory_space<vmem>>) target(%dma_start3A_196 : memref<256x64xf32, #tpu.memory_space<hbm>>) target_semaphore(%arg16 : memref<!tpu.dma_semaphore, #tpu.memory_space<semaphore_mem>>)
    %add3A_201 = arith.constant 5120 : i32
    %add3A_202 = arith.addi %mul3A_2, %add3A_201 : i32
    %dma_wait3A_203 = arith.constant 0 : i32
    %dma_wait3A_204 = arith.constant 0 : i32
    %dma_wait3A_205 = arith.constant 0 : i32
    %dma_wait3A_206 = tpu.memref_slice %arg6[%dma_wait3A_203, %dma_wait3A_204, %dma_wait3A_205] : memref<5x256x64xf32, #tpu.memory_space<vmem>> -> memref<1x256x64xf32, #tpu.memory_space<vmem>>
    %dma_wait3A_207 = tpu.memref_squeeze %dma_wait3A_206 : memref<1x256x64xf32, #tpu.memory_space<vmem>> -> memref<256x64xf32, #tpu.memory_space<vmem>>
    %dma_wait3A_208 = arith.constant 0 : i32
    %dma_wait3A_209 = tpu.memref_slice %arg4[%add3A_202, %dma_wait3A_208] : memref<204800x64xf32, #tpu.memory_space<hbm>> -> memref<256x64xf32, #tpu.memory_space<hbm>>
    %dma_wait3A_210 = arith.constant 0 : i32
    %dma_wait3A_211 = tpu.memref_slice %arg4[%add3A_202, %dma_wait3A_210] : memref<204800x64xf32, #tpu.memory_space<hbm>> -> memref<256x64xf32, #tpu.memory_space<hbm>>
    %dma_wait3A_212 = arith.constant 0 : i32
    %dma_wait3A_213 = arith.constant 0 : i32
    %dma_wait3A_214 = tpu.memref_slice %arg6[%dma_wait3A_203, %dma_wait3A_212, %dma_wait3A_213] : memref<5x256x64xf32, #tpu.memory_space<vmem>> -> memref<1x256x64xf32, #tpu.memory_space<vmem>>
    %dma_wait3A_215 = tpu.memref_squeeze %dma_wait3A_214 : memref<1x256x64xf32, #tpu.memory_space<vmem>> -> memref<256x64xf32, #tpu.memory_space<vmem>>
    tpu.wait_dma2 semaphore(%arg12 : memref<!tpu.dma_semaphore, #tpu.memory_space<semaphore_mem>>) src(%dma_wait3A_215 : memref<256x64xf32, #tpu.memory_space<vmem>>) dst(%dma_wait3A_211 : memref<256x64xf32, #tpu.memory_space<hbm>>)
    %add3A_216 = arith.constant 5376 : i32
    %add3A_217 = arith.addi %mul3A_2, %add3A_216 : i32
    %dma_wait3A_218 = arith.constant 1 : i32
    %dma_wait3A_219 = arith.constant 0 : i32
    %dma_wait3A_220 = arith.constant 0 : i32
    %dma_wait3A_221 = tpu.memref_slice %arg6[%dma_wait3A_218, %dma_wait3A_219, %dma_wait3A_220] : memref<5x256x64xf32, #tpu.memory_space<vmem>> -> memref<1x256x64xf32, #tpu.memory_space<vmem>>
    %dma_wait3A_222 = tpu.memref_squeeze %dma_wait3A_221 : memref<1x256x64xf32, #tpu.memory_space<vmem>> -> memref<256x64xf32, #tpu.memory_space<vmem>>
    %dma_wait3A_223 = arith.constant 0 : i32
    %dma_wait3A_224 = tpu.memref_slice %arg4[%add3A_217, %dma_wait3A_223] : memref<204800x64xf32, #tpu.memory_space<hbm>> -> memref<256x64xf32, #tpu.memory_space<hbm>>
    %dma_wait3A_225 = arith.constant 0 : i32
    %dma_wait3A_226 = tpu.memref_slice %arg4[%add3A_217, %dma_wait3A_225] : memref<204800x64xf32, #tpu.memory_space<hbm>> -> memref<256x64xf32, #tpu.memory_space<hbm>>
    %dma_wait3A_227 = arith.constant 0 : i32
    %dma_wait3A_228 = arith.constant 0 : i32
    %dma_wait3A_229 = tpu.memref_slice %arg6[%dma_wait3A_218, %dma_wait3A_227, %dma_wait3A_228] : memref<5x256x64xf32, #tpu.memory_space<vmem>> -> memref<1x256x64xf32, #tpu.memory_space<vmem>>
    %dma_wait3A_230 = tpu.memref_squeeze %dma_wait3A_229 : memref<1x256x64xf32, #tpu.memory_space<vmem>> -> memref<256x64xf32, #tpu.memory_space<vmem>>
    tpu.wait_dma2 semaphore(%arg13 : memref<!tpu.dma_semaphore, #tpu.memory_space<semaphore_mem>>) src(%dma_wait3A_230 : memref<256x64xf32, #tpu.memory_space<vmem>>) dst(%dma_wait3A_226 : memref<256x64xf32, #tpu.memory_space<hbm>>)
    %add3A_231 = arith.constant 5632 : i32
    %add3A_232 = arith.addi %mul3A_2, %add3A_231 : i32
    %dma_wait3A_233 = arith.constant 2 : i32
    %dma_wait3A_234 = arith.constant 0 : i32
    %dma_wait3A_235 = arith.constant 0 : i32
    %dma_wait3A_236 = tpu.memref_slice %arg6[%dma_wait3A_233, %dma_wait3A_234, %dma_wait3A_235] : memref<5x256x64xf32, #tpu.memory_space<vmem>> -> memref<1x256x64xf32, #tpu.memory_space<vmem>>
    %dma_wait3A_237 = tpu.memref_squeeze %dma_wait3A_236 : memref<1x256x64xf32, #tpu.memory_space<vmem>> -> memref<256x64xf32, #tpu.memory_space<vmem>>
    %dma_wait3A_238 = arith.constant 0 : i32
    %dma_wait3A_239 = tpu.memref_slice %arg4[%add3A_232, %dma_wait3A_238] : memref<204800x64xf32, #tpu.memory_space<hbm>> -> memref<256x64xf32, #tpu.memory_space<hbm>>
    %dma_wait3A_240 = arith.constant 0 : i32
    %dma_wait3A_241 = tpu.memref_slice %arg4[%add3A_232, %dma_wait3A_240] : memref<204800x64xf32, #tpu.memory_space<hbm>> -> memref<256x64xf32, #tpu.memory_space<hbm>>
    %dma_wait3A_242 = arith.constant 0 : i32
    %dma_wait3A_243 = arith.constant 0 : i32
    %dma_wait3A_244 = tpu.memref_slice %arg6[%dma_wait3A_233, %dma_wait3A_242, %dma_wait3A_243] : memref<5x256x64xf32, #tpu.memory_space<vmem>> -> memref<1x256x64xf32, #tpu.memory_space<vmem>>
    %dma_wait3A_245 = tpu.memref_squeeze %dma_wait3A_244 : memref<1x256x64xf32, #tpu.memory_space<vmem>> -> memref<256x64xf32, #tpu.memory_space<vmem>>
    tpu.wait_dma2 semaphore(%arg14 : memref<!tpu.dma_semaphore, #tpu.memory_space<semaphore_mem>>) src(%dma_wait3A_245 : memref<256x64xf32, #tpu.memory_space<vmem>>) dst(%dma_wait3A_241 : memref<256x64xf32, #tpu.memory_space<hbm>>)
    %add3A_246 = arith.constant 5888 : i32
    %add3A_247 = arith.addi %mul3A_2, %add3A_246 : i32
    %dma_wait3A_248 = arith.constant 3 : i32
    %dma_wait3A_249 = arith.constant 0 : i32
    %dma_wait3A_250 = arith.constant 0 : i32
    %dma_wait3A_251 = tpu.memref_slice %arg6[%dma_wait3A_248, %dma_wait3A_249, %dma_wait3A_250] : memref<5x256x64xf32, #tpu.memory_space<vmem>> -> memref<1x256x64xf32, #tpu.memory_space<vmem>>
    %dma_wait3A_252 = tpu.memref_squeeze %dma_wait3A_251 : memref<1x256x64xf32, #tpu.memory_space<vmem>> -> memref<256x64xf32, #tpu.memory_space<vmem>>
    %dma_wait3A_253 = arith.constant 0 : i32
    %dma_wait3A_254 = tpu.memref_slice %arg4[%add3A_247, %dma_wait3A_253] : memref<204800x64xf32, #tpu.memory_space<hbm>> -> memref<256x64xf32, #tpu.memory_space<hbm>>
    %dma_wait3A_255 = arith.constant 0 : i32
    %dma_wait3A_256 = tpu.memref_slice %arg4[%add3A_247, %dma_wait3A_255] : memref<204800x64xf32, #tpu.memory_space<hbm>> -> memref<256x64xf32, #tpu.memory_space<hbm>>
    %dma_wait3A_257 = arith.constant 0 : i32
    %dma_wait3A_258 = arith.constant 0 : i32
    %dma_wait3A_259 = tpu.memref_slice %arg6[%dma_wait3A_248, %dma_wait3A_257, %dma_wait3A_258] : memref<5x256x64xf32, #tpu.memory_space<vmem>> -> memref<1x256x64xf32, #tpu.memory_space<vmem>>
    %dma_wait3A_260 = tpu.memref_squeeze %dma_wait3A_259 : memref<1x256x64xf32, #tpu.memory_space<vmem>> -> memref<256x64xf32, #tpu.memory_space<vmem>>
    tpu.wait_dma2 semaphore(%arg15 : memref<!tpu.dma_semaphore, #tpu.memory_space<semaphore_mem>>) src(%dma_wait3A_260 : memref<256x64xf32, #tpu.memory_space<vmem>>) dst(%dma_wait3A_256 : memref<256x64xf32, #tpu.memory_space<hbm>>)
    %add3A_261 = arith.constant 6144 : i32
    %add3A_262 = arith.addi %mul3A_2, %add3A_261 : i32
    %dma_wait3A_263 = arith.constant 4 : i32
    %dma_wait3A_264 = arith.constant 0 : i32
    %dma_wait3A_265 = arith.constant 0 : i32
    %dma_wait3A_266 = tpu.memref_slice %arg6[%dma_wait3A_263, %dma_wait3A_264, %dma_wait3A_265] : memref<5x256x64xf32, #tpu.memory_space<vmem>> -> memref<1x256x64xf32, #tpu.memory_space<vmem>>
    %dma_wait3A_267 = tpu.memref_squeeze %dma_wait3A_266 : memref<1x256x64xf32, #tpu.memory_space<vmem>> -> memref<256x64xf32, #tpu.memory_space<vmem>>
    %dma_wait3A_268 = arith.constant 0 : i32
    %dma_wait3A_269 = tpu.memref_slice %arg4[%add3A_262, %dma_wait3A_268] : memref<204800x64xf32, #tpu.memory_space<hbm>> -> memref<256x64xf32, #tpu.memory_space<hbm>>
    %dma_wait3A_270 = arith.constant 0 : i32
    %dma_wait3A_271 = tpu.memref_slice %arg4[%add3A_262, %dma_wait3A_270] : memref<204800x64xf32, #tpu.memory_space<hbm>> -> memref<256x64xf32, #tpu.memory_space<hbm>>
    %dma_wait3A_272 = arith.constant 0 : i32
    %dma_wait3A_273 = arith.constant 0 : i32
    %dma_wait3A_274 = tpu.memref_slice %arg6[%dma_wait3A_263, %dma_wait3A_272, %dma_wait3A_273] : memref<5x256x64xf32, #tpu.memory_space<vmem>> -> memref<1x256x64xf32, #tpu.memory_space<vmem>>
    %dma_wait3A_275 = tpu.memref_squeeze %dma_wait3A_274 : memref<1x256x64xf32, #tpu.memory_space<vmem>> -> memref<256x64xf32, #tpu.memory_space<vmem>>
    tpu.wait_dma2 semaphore(%arg16 : memref<!tpu.dma_semaphore, #tpu.memory_space<semaphore_mem>>) src(%dma_wait3A_275 : memref<256x64xf32, #tpu.memory_space<vmem>>) dst(%dma_wait3A_271 : memref<256x64xf32, #tpu.memory_space<hbm>>)
    return
  }
}

</mosaic_0001>

<sc_bundles>
// kernel: _embed.3.cloned.1.call-start
scs
__scs_entry_jumppad:
0x0: {  	(pc) =	sbr.rel $0x88, $3  }
0x1: {  	(tag) =	ssettag $0x0;
	lr =	simm.s32 $0x1  }
0x2: {  	[smem:$0x3F9F] =	sst lr;
	_ =	strace $0xD0000000  }
0x3: {  	_ = 	snop  }
0x4: {  	_ = 	snop  }
0x5: {  	_ = 	snop  }
0x6: {  	_ = 	snop  }
0x7: {  	_ = 	snop  }
__scs_overlays_trampoline_lowered:
0x8: {  	[smem:$0x3FAE] =	sst s0  }
0x9: {  	[smem:$0x3FAF] =	sst s1  }
0xa: {  	[smem:$0x3FB0] =	sst s2  }
0xb: {  	[smem:$0x3FB1] =	sst s3  }
0xc: {  	[smem:$0x3FB2] =	sst s4  }
0xd: {  	[smem:$0x3FB3] =	sst s5  }
0xe: {  	[smem:$0x3FB4] =	sst s6  }
0xf: {  	[smem:$0x3FB5] =	sst s7  }
0x10: {  	[smem:$0x3FB6] =	sst s8  }
0x11: {  	[smem:$0x3FB7] =	sst s9;
	s0 =	simm.s32 @!p0 $0x0  }
0x12: {  	s1 =	sld [smem:$0x3F9D];
	s0 =	simm.s32 @p0 $0x1  }
0x13: {  	[smem:$0x3FB8] =	sst s0;
	s0 =	simm.s32 @!p1 $0x0  }
0x14: {  	s2 =	sld [smem:$0x3F9C];
	s0 =	simm.s32 @p1 $0x1  }
0x15: {  	[smem:$0x3FB9] =	sst s0;
	s0 =	simm.s32 @!p2 $0x0  }
0x16: {  	s3 =	sld [smem:$0x3FDB];
	s0 =	simm.s32 @p2 $0x1  }
0x17: {  	s4 =	simm.s32 $0x1BF5;
	[smem:$0x3FBB] =	sst s0  }
0x18: {  	s0 =	sld [smem:$0x3F9E];
	_ =	swait.ge [sflag:s4], $0x0  }
0x19: {  	s7 =	sld [smem:$0x3F9F]  }
0x1a: {  	s8 =	sadd.s32 $0xFFFFE003, lr  }
0x1b: {  	s9 =	sadd.s32 $0xFFFFFEF7, lr;
	s5 =	simm.s32 $0xFFFFFFFF;
	p2 =	slt.u32 s8, $0xFFFFF086  }
0x1c: {  	p1 =	slt.u32 s9, $0xF7A;
	s5 =	simm.s32 @!p2 $0x0  }
0x1d: {  	s5 =	simm.s32 @p1 $0x1;
	p0 =	seq.s32 s7, s2  }
0x1e: {  	s7 =	smul.u32 @!p0 $0xF7A, s2;
	p2 =	seq.s32 @!p0 s5, $0x0  }
0x1f: {  	s9 =	smul.u32 $0xF7A, s1;
	s8 =	simm.s32 @!p0 $0x1BF5;
	p2 =	por !p2, p0  }
0x20: {  	[sflag:s8] =	ssyncset.s32 @!p0 $0xFFFFF086;
	s6 =	sadd.s32 @!p0 s3, s7;
	s7 =	simm.s32 @!p0 $0x108  }
0x21: {  	s3 =	sadd.s32 s3, s9;
	s6 =	sadd.s32 @!p0 $0x88, s6;
	s7 =	simm.s32 @p2 $0x1082  }
0x22: {  	[simem:s7], [sflag:s8] =	dma.local @!p0 [hbm:s6], $0xF7A  }
0x23: {  	s9 =	sor.u32 $0xD0000000, s2;
	s6 =	simm.s32 $0x108;
	_ =	swait.ge @!p0 [sflag:s8], $0x0  }
0x24: {  	s3 =	sadd.s32 $0x88, s3;
	s6 =	simm.s32 @!p1 $0x1082;
	[sflag:s4] =	ssyncset.s32 $0xFFFFF086  }
0x25: {  	[simem:s6], [sflag:s4] =	dma.local [hbm:s3], $0xF7A  }
0x26: {  	[smem:$0x3F9F] =	sst s1;
	(tag) =	ssettag s2;
	_ =	strace s9  }
0x27: {  	s1 =	sld [smem:$0x3FAF]  }
0x28: {  	s2 =	sld [smem:$0x3FB0]  }
0x29: {  	s4 =	sld [smem:$0x3FB2]  }
0x2a: {  	p0 =	seq.s32 s5, $0x0;
	s5 =	sld [smem:$0x3FB3]  }
0x2b: {  	s6 =	sld [smem:$0x3FB4]  }
0x2c: {  	s7 =	sld [smem:$0x3FB5]  }
0x2d: {  	s3 =	simm.s32 $0x108;
	s8 =	sld [smem:$0x3FB6]  }
0x2e: {  	s3 =	simm.s32 @!p0 $0x1082;
	s9 =	sld [smem:$0x3FB7]  }
0x2f: {  	lr =	sadd.s32 s0, s3;
	s0 =	sld [smem:$0x3FAE]  }
0x30: {  	s3 =	sld [smem:$0x3FB1]  }
0x31: {  	[smem:$0x3FBA] =	sst s10  }
0x32: {  	s10 =	sld [smem:$0x3FB8];
	_ =	sdelay $0x3  }
0x33: {  	p0 =	seq.s32 s10, $0x1;
	s10 =	sld [smem:$0x3FBA];
	_ =	sdelay $0x3  }
0x34: {  	[smem:$0x3FBA] =	sst s10  }
0x35: {  	s10 =	sld [smem:$0x3FB9];
	_ =	sdelay $0x3  }
0x36: {  	p1 =	seq.s32 s10, $0x1;
	s10 =	sld [smem:$0x3FBA];
	_ =	sdelay $0x3  }
0x37: {  	[smem:$0x3FBA] =	sst s10  }
0x38: {  	s10 =	sld [smem:$0x3FBB]  }
0x39: {  	_ = 	snop;
	(pc) =	sbr.ind lr, $3  }
0x3a: {  	_ = 	snop  }
0x3b: {  	_ = 	snop  }
0x3c: {  	p2 =	seq.s32 s10, $0x1;
	s10 =	sld [smem:$0x3FBA]  }
0x3d: {  	_ =	shalt  }
0x3e: {  	_ =	shalt  }
0x3f: {  	_ =	shalt  }
0x40: {  	_ =	shalt  }
0x41: {  	_ =	shalt  }
0x42: {  	_ =	shalt  }
0x43: {  	_ =	shalt  }
0x44: {  	_ =	shalt  }
0x45: {  	_ =	shalt  }
0x46: {  	_ =	shalt  }
0x47: {  	_ =	shalt  }
0x48: {  	_ =	shalt  }
0x49: {  	_ =	shalt  }
0x4a: {  	_ =	shalt  }
0x4b: {  	_ =	shalt  }
0x4c: {  	_ =	shalt  }
0x4d: {  	_ =	shalt  }
0x4e: {  	_ =	shalt  }
0x4f: {  	_ =	shalt  }
0x50: {  	_ =	shalt  }
0x51: {  	_ =	shalt  }
0x52: {  	_ =	shalt  }
0x53: {  	_ =	shalt  }
0x54: {  	_ =	shalt  }
0x55: {  	_ =	shalt  }
0x56: {  	_ =	shalt  }
0x57: {  	_ =	shalt  }
0x58: {  	_ =	shalt  }
0x59: {  	_ =	shalt  }
0x5a: {  	_ =	shalt  }
0x5b: {  	_ =	shalt  }
0x5c: {  	_ =	shalt  }
0x5d: {  	_ =	shalt  }
0x5e: {  	_ =	shalt  }
0x5f: {  	_ =	shalt  }
0x60: {  	_ =	shalt  }
0x61: {  	_ =	shalt  }
0x62: {  	_ =	shalt  }
0x63: {  	_ =	shalt  }
0x64: {  	_ =	shalt  }
0x65: {  	_ =	shalt  }
0x66: {  	_ =	shalt  }
0x67: {  	_ =	shalt  }
0x68: {  	_ =	shalt  }
0x69: {  	_ =	shalt  }
0x6a: {  	_ =	shalt  }
0x6b: {  	_ =	shalt  }
0x6c: {  	_ =	shalt  }
0x6d: {  	_ =	shalt  }
0x6e: {  	_ =	shalt  }
0x6f: {  	_ =	shalt  }
0x70: {  	_ =	shalt  }
0x71: {  	_ =	shalt  }
0x72: {  	_ =	shalt  }
0x73: {  	_ =	shalt  }
0x74: {  	_ =	shalt  }
0x75: {  	_ =	shalt  }
0x76: {  	_ =	shalt  }
0x77: {  	_ =	shalt  }
0x78: {  	_ =	shalt  }
0x79: {  	_ =	shalt  }
0x7a: {  	_ =	shalt  }
0x7b: {  	_ =	shalt  }
0x7c: {  	_ =	shalt  }
0x7d: {  	_ =	shalt  }
0x7e: {  	_ =	shalt  }
0x7f: {  	_ =	shalt  }
0x80: {  	_ =	shalt  }
0x81: {  	_ =	shalt  }
0x82: {  	_ =	shalt  }
0x83: {  	_ =	shalt  }
0x84: {  	_ =	shalt  }
0x85: {  	_ =	shalt  }
0x86: {  	_ =	shalt  }
0x87: {  	_ =	shalt  }
.Lfunc_end0:
.L_simem_size_0:
called_computation.1_lowered:
.L_overlay_start_0:
0x88: {  	s2 =	sld [smem:$0x3FD9]  }
0x89: {  	s3 =	sld [smem:$0x3FFE];
	_ =	sdelay $0x1  }
0x8a: {  	s1 =	srdreg.scid  }
0x8b: {  	s0 =	sand.u32 $0x1, s1  }
0x8c: {  	s17 =	sshll.u32 s0, $0xA;
	s2 =	sadd.s32 s3, s2  }
0x8d: {  	s2 =	sadd.s32 s2, s17  }
0x8e: {  	[smem:$0x3FC6] =	sst s2  }
0x8f: {  	_ = 	snop  }
0x90: {  	s2 =	sld [smem:$0x3FD0];
	(tm) =	ssettm $0x1  }
0x91: {  	s18 =	sld [smem:$0x3FFB];
	_ =	sdelay $0x3  }
0x92: {  	_ =	strace s18  }
0x93: {  	s3 =	sld [smem:$0x3FFC];
	_ =	sdelay $0x3  }
0x94: {  	_ =	strace s3  }
0x95: {  	s3 =	sld [smem:$0x3FFD];
	_ =	sdelay $0x3  }
0x96: {  	_ =	strace s3  }
0x97: {  	_ =	strace $0x8FFFFFFF  }
0x98: {  	s19 =	sld [smem:$0x3FDB];
	_ =	sdelay $0x1  }
0x99: {  	s4 =	simm.s32 $_scs_section_size  }
0x9a: {  	s5 =	simm.s32 $_size__tile_overlayer_lowered;
	s6 =	simm.s32 $_tile_overlayer_lowered  }
0x9b: {  	s22 =	simm.s32 $0x1BFF;
	s21 =	sshll.u32 s6, $0x1;
	s3 =	sadd.s32 s4, s19  }
0x9c: {  	s7 =	simm.s32 $0x0;
	s20 =	sshll.u32 s5, $0x1;
	s5 =	sadd.s32 s21, s3  }
0x9d: {  	[timem:s7], [sflag:s22] =	dma.local [hbm:s5], s20  }
0x9e: {  	_ =	swait.ge [sflag:s22], s20  }
0x9f: {  	s4 =	ssub.s32 $0x0, s20;
	[sflag:s22] =	ssyncset.done $0x0  }
0xa0: {  	[sflag:s22] =	ssyncadd.s32 s4;
	_ =	sdelay $0x1  }
0xa1: {  	s23 =	simm.s32 $0x1B8B  }
0xa2: {  	_ =	swait.ge [sflag:s23], $0x1  }
0xa3: {  	[sflag:s23] =	ssyncset.done $0x0  }
0xa4: {  	s25 =	simm.s32 $0x1B8E;
	s24 =	sld [smem:$0x3FFE];
	[sflag:s23] =	ssyncadd.s32 $0xFFFFFFFF  }
0xa5: {  	s26 =	simm.s32 $execute0_lowered;
	[smem:$0x3FD2] =	sst s25  }
0xa6: {  	s5 =	sshll.u32 s26, $0x1;
	_ =	strace $0x80000046;
	[dreg:$0x1] =	wrdreg $0xFFFFFFFF  }
0xa7: {  	s28 =	simm.s32 $_size_execute0_lowered;
	s3 =	sadd.s32 s3, s5;
	[dreg:$0x0] =	wrdreg $0x0  }
0xa8: {  	s5 =	sshll.u32 s28, $0x1;
	[dreg:$0x2] =	wrdreg s3  }
0xa9: {  	[dreg:$0x3] =	wrdreg s5  }
0xaa: {  	[dreg:$0x4] =	wrdreg $0xC0  }
0xab: {  	_ =	task [dreg:s7], $0x5FFFF  }
0xac: {  	[dreg:$0x1] =	wrdreg $0xFFFFFFFF  }
0xad: {  	[dreg:$0x0] =	wrdreg $0x60  }
0xae: {  	[dreg:$0x2] =	wrdreg s24  }
0xaf: {  	[dreg:$0x3] =	wrdreg s2  }
0xb0: {  	[dreg:$0x4] =	wrdreg $0x9  }
0xb1: {  	_ =	task.clear_ibuf [dreg:s7], $0x5FFFF;
	_ =	strace $0x90000046  }
0xb2: {  	s29 =	simm.s32 $0x9;
	_ =	strace $0x80000048  }
0xb3: {  	_ =	swait.ge [sflag:s29], $0x1  }
0xb4: {  	[sflag:s29] =	ssyncadd.s32 $0xFFFFFFFF  }
0xb5: {  	_ =	strace $0x90000048  }
0xb6: {  	_ =	sfence  }
0xb7: {  	s30 =	sld [smem:$0x0];
	_ =	sdelay $0x2  }
0xb8: {  	s31 =	sshll.u32 s1, $0xD;
	s1 =	sshrl.u32 s1, $0x2  }
0xb9: {  	s3 =	sand.u32 $0x4000, s31;
	s1 =	sadd.s32 s1, s30  }
0xba: {  	s0 =	sor.u32 s3, s0;
	s1 =	sshll.u32 s1, $0x11  }
0xbb: {  	s0 =	sor.u32 s1, s0  }
0xbc: {  	s0 =	sadd.s32 $0x8F2B, s0  }
0xbd: {  	[sflag:s0] =	ssyncadd.remote.s32 $0x1  }
0xbe: {  	_ =	sfence.sel $0xFFFF  }
0xbf: {  	[dreg:$0x0] =	wrdreg $0xFFFFFFFF;
	(pc) =	sbr.abs _section_cstart, $3  }
0xc0: {  	[dreg:$0x1] =	wrdreg $0xFFFFFFFF  }
0xc1: {  	_ =	task.clear_ibuf [dreg:s7], $0x2FFFF;
	_ =	strace $0x9FFFFFFF  }
0xc2: {  	(tm) =	ssettm $0x7FFFFFFF  }
0xc3: {  	_ =	shalt  }
tec
execute0_lowered:
.L_overlay_start_1:
0x0: {  	(tag) =	ssettag $0x1  }
0x1: {  	s0 =	srdreg.scid;
	s1 =	rddreg [dreg:$0x0]  }
0x2: {  	s9 =	stileid.u32;
	s4 =	rddreg [dreg:$0x1];
	s17 =	simm.s32 $0x100  }
0x3: {  	s0 =	sand.u32 $0x1, s0;
	s2 =	sshll.u32 s9, $0x1;
	s8 =	smul.u32 $0x3200, s9  }
0x4: {  	s28 =	simm.s32 $0x6;
	s25 =	smul.u32 $0x19000, s9;
	s3 =	sor.u32 s0, s2  }
0x5: {  	s29 =	simm.s32 $0x2;
	s30 =	simm.s32 $0x7;
	s5 =	smul.u32 $0x1900, s3  }
0x6: {  	s31 =	simm.s32 $0x3;
	s2 =	simm.s32 $0x0;
	s6 =	smul.u32 $0x64000, s3  }
0x7: {  	s18 =	ssub.s32 $0x2, s0;
	s19 =	smul.u32 $0x1900, s0;
	s5 =	sshrl.u32 s5, $0x3  }
0x8: {  	s3 =	sadd.s32 $0x6C00, s1;
	s6 =	sshrl.u32 s6, $0x3;
	s1 =	sadd.s32 s5, s1  }
0x9: {  	[smem:$0x7FF] =	sst s2;
	s6 =	sadd.s32 s4, s6;
	s1 =	sadd.s32 $0x800, s1  }
0xa: {  	_ =	strace $0x80000047;
	s20 =	sadd.s32 $0xA000, s6;
	[dreg:$0x3] =	wrdreg s1  }
0xb: {  	s0 =	smul.u32 $0xC800, s0;
	s21 =	sadd.s32 $0xA800, s6;
	[dreg:$0x4] =	wrdreg s20  }
0xc: {  	s7 =	sshrl.u32 s18, $0x1;
	s22 =	sadd.s32 $0xB000, s6;
	[dreg:$0x5] =	wrdreg s21  }
0xd: {  	s24 =	sadd.s32 s19, s8;
	s23 =	sadd.s32 $0xB800, s6;
	[dreg:$0x6] =	wrdreg s22  }
0xe: {  	s5 =	ssub.s32 s18, s7;
	s6 =	sadd.s32 $0xC000, s6;
	[dreg:$0x7] =	wrdreg s23  }
0xf: {  	s19 =	simm.s32 $0x5900;
	s5 =	smax.u32 s5, $0x1;
	[dreg:$0x8] =	wrdreg s6  }
0x10: {  	s18 =	simm.s32 $0x1900;
	s1 =	sshll.u32 s24, $0x3;
	[dreg:$0x9] =	wrdreg s5  }
0x11: {  	s21 =	simm.s32 $0x9900;
	s23 =	simm.s32 $0xD900;
	s20 =	simm.s32 $0x9  }
0x12: {  	s22 =	simm.s32 $0x5;
	s24 =	simm.s32 $0xA;
	s1 =	sadd.s32 s4, s1  }
0x13: {  	s4 =	sadd.s32 s25, s4;
	s25 =	simm.s32 $0x11900;
	s26 =	sadd.s32 $0x2000, s1  }
0x14: {  	s12 =	sadd.s32 $0x1800, s1;
	s13 =	sadd.s32 $0x1000, s1;
	s14 =	sadd.s32 $0x800, s1  }
0x15: {  	s15 =	sadd.s32 s0, s4;
	s1 =	simm.s32 $0x8;
	s0 =	simm.s32 $0x4  }
0x16: {  	s4 =	simm.s32 $0x0;
	[dreg:$0xa] =	wrdreg s26;
	s26 =	simm.s32 $0x1  }
.LBB2_1:
0x17: {  	s5 =	rddreg [dreg:$0x3];
	s16 =	simm.s32 $0xB  }
0x18: {  	[tilespmem:s2], [sflag:$0xB] =	stream.linear.gather [hbm4b:s5+s2], $0x1900, $0x38;
	[tilespmem:$0x15900] =	vst v63  }
0x19: {  	_ =	swait.ge [sflag:s16], $0x1900  }
0x1a: {  	[sflag:s16] =	ssyncset.done $0x0  }
0x1b: {  	[sflag:s16] =	ssyncadd.s32 $0xFFFFE700  }
0x1c: {  	[tilespmem:s18], [sflag:$0x1] =	stream.indirect.gather [hbm4b:s3+s17], $0x40, s2, s17, $0xb8;
	[tilespmem:$0x15900] =	vst v63  }
0x1d: {  	_ = 	snop  }
0x1e: {  	[tilespmem:s19], [sflag:$0x2] =	stream.indirect.gather [hbm4b:s3+s17], $0x40, s17, s17, $0xb8;
	[tilespmem:$0x15900] =	vst v63  }
0x1f: {  	s6 =	simm.s32 $0x200  }
0x20: {  	[tilespmem:s21], [sflag:$0x3] =	stream.indirect.gather [hbm4b:s3+s17], $0x40, s6, s17, $0xb8;
	[tilespmem:$0x15900] =	vst v63  }
0x21: {  	s7 =	simm.s32 $0x300  }
0x22: {  	[tilespmem:s23], [sflag:$0x4] =	stream.indirect.gather [hbm4b:s3+s17], $0x40, s7, s17, $0xb8;
	[tilespmem:$0x15900] =	vst v63  }
0x23: {  	s8 =	simm.s32 $0x400  }
0x24: {  	[tilespmem:s25], [sflag:$0x5] =	stream.indirect.gather [hbm4b:s3+s17], $0x40, s8, s17, $0xb8;
	[tilespmem:$0x15900] =	vst v63  }
0x25: {  	_ =	swait.ge [sflag:s26], $0x4000  }
0x26: {  	[sflag:s26] =	ssyncset.done $0x0  }
0x27: {  	[sflag:s26] =	ssyncadd.s32 $0xFFFFC000  }
0x28: {  	[hbm4b:s15+s2] =	stream.linear.scatter [tilespmem:s18], [sflag:$0x6], $0x4000, $0x38;
	[tilespmem:$0x15900] =	vst v63  }
0x29: {  	_ =	swait.ge [sflag:s28], $0x4000  }
0x2a: {  	[sflag:s28] =	ssyncset.done $0x0  }
0x2b: {  	s9 =	simm.s32 $0x500;
	[sflag:s28] =	ssyncadd.s32 $0xFFFFC000  }
0x2c: {  	[tilespmem:s18], [sflag:$0x1] =	stream.indirect.gather [hbm4b:s3+s17], $0x40, s9, s17, $0xb8;
	[tilespmem:$0x15900] =	vst v63  }
0x2d: {  	_ =	swait.ge [sflag:s29], $0x4000  }
0x2e: {  	[sflag:s29] =	ssyncset.done $0x0  }
0x2f: {  	[sflag:s29] =	ssyncadd.s32 $0xFFFFC000  }
0x30: {  	[hbm4b:s14+s2] =	stream.linear.scatter [tilespmem:s19], [sflag:$0x7], $0x4000, $0x38;
	[tilespmem:$0x15900] =	vst v63  }
0x31: {  	_ =	swait.ge [sflag:s30], $0x4000  }
0x32: {  	[sflag:s30] =	ssyncset.done $0x0  }
0x33: {  	s10 =	simm.s32 $0x600;
	[sflag:s30] =	ssyncadd.s32 $0xFFFFC000  }
0x34: {  	[tilespmem:s19], [sflag:$0x2] =	stream.indirect.gather [hbm4b:s3+s17], $0x40, s10, s17, $0xb8;
	[tilespmem:$0x15900] =	vst v63  }
0x35: {  	_ =	swait.ge [sflag:s31], $0x4000  }
0x36: {  	[sflag:s31] =	ssyncset.done $0x0  }
0x37: {  	[sflag:s31] =	ssyncadd.s32 $0xFFFFC000  }
0x38: {  	[hbm4b:s13+s2] =	stream.linear.scatter [tilespmem:s21], [sflag:$0x8], $0x4000, $0x38;
	[tilespmem:$0x15900] =	vst v63  }
0x39: {  	_ =	swait.ge [sflag:s1], $0x4000  }
0x3a: {  	[sflag:s1] =	ssyncset.done $0x0  }
0x3b: {  	s11 =	simm.s32 $0x700;
	[sflag:s1] =	ssyncadd.s32 $0xFFFFC000  }
0x3c: {  	[tilespmem:s21], [sflag:$0x3] =	stream.indirect.gather [hbm4b:s3+s17], $0x40, s11, s17, $0xb8;
	[tilespmem:$0x15900] =	vst v63  }
0x3d: {  	_ =	swait.ge [sflag:s0], $0x4000  }
0x3e: {  	[sflag:s0] =	ssyncset.done $0x0  }
0x3f: {  	[sflag:s0] =	ssyncadd.s32 $0xFFFFC000  }
0x40: {  	[hbm4b:s12+s2] =	stream.linear.scatter [tilespmem:s23], [sflag:$0x9], $0x4000, $0x38;
	[tilespmem:$0x15900] =	vst v63  }
0x41: {  	_ =	swait.ge [sflag:s20], $0x4000  }
0x42: {  	[sflag:s20] =	ssyncset.done $0x0  }
0x43: {  	s16 =	simm.s32 $0x800;
	[sflag:s20] =	ssyncadd.s32 $0xFFFFC000  }
0x44: {  	[tilespmem:s23], [sflag:$0x4] =	stream.indirect.gather [hbm4b:s3+s17], $0x40, s16, s17, $0xb8;
	[tilespmem:$0x15900] =	vst v63  }
0x45: {  	_ =	swait.ge [sflag:s22], $0x4000  }
0x46: {  	[sflag:s22] =	ssyncset.done $0x0  }
0x47: {  	s5 =	simm.s32 $0x1400;
	s10 =	rddreg [dreg:$0xa];
	[sflag:s22] =	ssyncadd.s32 $0xFFFFC000  }
0x48: {  	[hbm4b:s10+s2] =	stream.linear.scatter [tilespmem:s25], [sflag:$0xA], $0x4000, $0x38;
	[tilespmem:$0x15900] =	vst v63  }
0x49: {  	s6 =	sadd.s32 $0x2800, s14;
	s7 =	sadd.s32 $0x2800, s15;
	_ =	swait.ge [sflag:s24], $0x4000  }
0x4a: {  	s8 =	sadd.s32 $0x2800, s12;
	s9 =	sadd.s32 $0x2800, s13;
	[sflag:s24] =	ssyncset.done $0x0  }
0x4b: {  	s16 =	simm.s32 $0x900;
	s10 =	sadd.s32 $0x2800, s10;
	[sflag:s24] =	ssyncadd.s32 $0xFFFFC000  }
.LBB2_2:
0x4c: {  	[tilespmem:s25], [sflag:$0x5] =	stream.indirect.gather [hbm4b:s3+s17], $0x40, s16, s17, $0xb8;
	[tilespmem:$0x15900] =	vst v63  }
0x4d: {  	s16 =	smov.u32 s5  }
0x4e: {  	p0 =	sne.s32 s5, $0x3C00;
	s5 =	sadd.s32 $0x1400, s5;
	_ =	swait.ge [sflag:s26], $0x4000  }
0x4f: {  	[sflag:s26] =	ssyncset.done $0x0  }
0x50: {  	[sflag:s26] =	ssyncadd.s32 $0xFFFFC000  }
0x51: {  	[hbm4b:s7+s2] =	stream.linear.scatter [tilespmem:s18], [sflag:$0x6], $0x4000, $0x38;
	[tilespmem:$0x15900] =	vst v63  }
0x52: {  	_ =	swait.ge [sflag:s28], $0x4000  }
0x53: {  	s16 =	sshra.s32 s16, $0x2;
	[sflag:s28] =	ssyncset.done $0x0  }
0x54: {  	s11 =	sadd.s32 $0x500, s16;
	[sflag:s28] =	ssyncadd.s32 $0xFFFFC000  }
0x55: {  	[tilespmem:s18], [sflag:$0x1] =	stream.indirect.gather [hbm4b:s3+s17], $0x40, s11, s17, $0xb8;
	[tilespmem:$0x15900] =	vst v63  }
0x56: {  	_ =	swait.ge [sflag:s29], $0x4000  }
0x57: {  	[sflag:s29] =	ssyncset.done $0x0  }
0x58: {  	[sflag:s29] =	ssyncadd.s32 $0xFFFFC000  }
0x59: {  	[hbm4b:s6+s2] =	stream.linear.scatter [tilespmem:s19], [sflag:$0x7], $0x4000, $0x38;
	[tilespmem:$0x15900] =	vst v63  }
0x5a: {  	_ =	swait.ge [sflag:s30], $0x4000  }
0x5b: {  	[sflag:s30] =	ssyncset.done $0x0  }
0x5c: {  	s11 =	sadd.s32 $0x600, s16;
	[sflag:s30] =	ssyncadd.s32 $0xFFFFC000  }
0x5d: {  	[tilespmem:s19], [sflag:$0x2] =	stream.indirect.gather [hbm4b:s3+s17], $0x40, s11, s17, $0xb8;
	[tilespmem:$0x15900] =	vst v63  }
0x5e: {  	_ =	swait.ge [sflag:s31], $0x4000  }
0x5f: {  	[sflag:s31] =	ssyncset.done $0x0  }
0x60: {  	[sflag:s31] =	ssyncadd.s32 $0xFFFFC000  }
0x61: {  	[hbm4b:s9+s2] =	stream.linear.scatter [tilespmem:s21], [sflag:$0x8], $0x4000, $0x38;
	[tilespmem:$0x15900] =	vst v63  }
0x62: {  	_ =	swait.ge [sflag:s1], $0x4000  }
0x63: {  	[sflag:s1] =	ssyncset.done $0x0  }
0x64: {  	s11 =	sadd.s32 $0x700, s16;
	[sflag:s1] =	ssyncadd.s32 $0xFFFFC000  }
0x65: {  	[tilespmem:s21], [sflag:$0x3] =	stream.indirect.gather [hbm4b:s3+s17], $0x40, s11, s17, $0xb8;
	[tilespmem:$0x15900] =	vst v63  }
0x66: {  	_ =	swait.ge [sflag:s0], $0x4000  }
0x67: {  	[sflag:s0] =	ssyncset.done $0x0  }
0x68: {  	[sflag:s0] =	ssyncadd.s32 $0xFFFFC000  }
0x69: {  	[hbm4b:s8+s2] =	stream.linear.scatter [tilespmem:s23], [sflag:$0x9], $0x4000, $0x38;
	[tilespmem:$0x15900] =	vst v63  }
0x6a: {  	_ =	swait.ge [sflag:s20], $0x4000  }
0x6b: {  	[sflag:s20] =	ssyncset.done $0x0  }
0x6c: {  	s11 =	sadd.s32 $0x800, s16;
	[sflag:s20] =	ssyncadd.s32 $0xFFFFC000  }
0x6d: {  	[tilespmem:s23], [sflag:$0x4] =	stream.indirect.gather [hbm4b:s3+s17], $0x40, s11, s17, $0xb8;
	[tilespmem:$0x15900] =	vst v63  }
0x6e: {  	_ =	swait.ge [sflag:s22], $0x4000  }
0x6f: {  	[sflag:s22] =	ssyncset.done $0x0  }
.Ltmp0:
0x70: {  	[sflag:s22] =	ssyncadd.s32 $0xFFFFC000;
	(pc) =	sbr.rel @p0 .LBB2_2-.Ltmp0, $4  }
0x71: {  	[hbm4b:s10+s2] =	stream.linear.scatter [tilespmem:s25], [sflag:$0xA], $0x4000, $0x38;
	[tilespmem:$0x15900] =	vst v63  }
0x72: {  	s7 =	sadd.s32 $0x2800, s7;
	s6 =	sadd.s32 $0x2800, s6;
	_ =	swait.ge [sflag:s24], $0x4000  }
0x73: {  	s9 =	sadd.s32 $0x2800, s9;
	s8 =	sadd.s32 $0x2800, s8;
	[sflag:s24] =	ssyncset.done $0x0  }
0x74: {  	s16 =	sadd.s32 $0x900, s16;
	s10 =	sadd.s32 $0x2800, s10;
	[sflag:s24] =	ssyncadd.s32 $0xFFFFC000  }
0x75: {  	[tilespmem:s25], [sflag:$0x5] =	stream.indirect.gather [hbm4b:s3+s17], $0x40, s16, s17, $0xb8;
	[tilespmem:$0x15900] =	vst v63  }
0x76: {  	_ =	swait.ge [sflag:s26], $0x4000  }
0x77: {  	[sflag:s26] =	ssyncset.done $0x0  }
0x78: {  	s5 =	rddreg [dreg:$0x4];
	[sflag:s26] =	ssyncadd.s32 $0xFFFFC000  }
0x79: {  	[hbm4b:s5+s2] =	stream.linear.scatter [tilespmem:s18], [sflag:$0x6], $0x4000, $0x38;
	[tilespmem:$0x15900] =	vst v63  }
0x7a: {  	_ =	swait.ge [sflag:s29], $0x4000  }
0x7b: {  	[sflag:s29] =	ssyncset.done $0x0  }
0x7c: {  	s8 =	rddreg [dreg:$0x5];
	[sflag:s29] =	ssyncadd.s32 $0xFFFFC000  }
0x7d: {  	[hbm4b:s8+s2] =	stream.linear.scatter [tilespmem:s19], [sflag:$0x7], $0x4000, $0x38;
	[tilespmem:$0x15900] =	vst v63  }
0x7e: {  	_ =	swait.ge [sflag:s31], $0x4000  }
0x7f: {  	[sflag:s31] =	ssyncset.done $0x0  }
0x80: {  	s9 =	rddreg [dreg:$0x6];
	[sflag:s31] =	ssyncadd.s32 $0xFFFFC000  }
0x81: {  	[hbm4b:s9+s2] =	stream.linear.scatter [tilespmem:s21], [sflag:$0x8], $0x4000, $0x38;
	[tilespmem:$0x15900] =	vst v63  }
0x82: {  	_ =	swait.ge [sflag:s0], $0x4000  }
0x83: {  	[sflag:s0] =	ssyncset.done $0x0  }
0x84: {  	s10 =	rddreg [dreg:$0x7];
	[sflag:s0] =	ssyncadd.s32 $0xFFFFC000  }
0x85: {  	[hbm4b:s10+s2] =	stream.linear.scatter [tilespmem:s23], [sflag:$0x9], $0x4000, $0x38;
	[tilespmem:$0x15900] =	vst v63  }
0x86: {  	_ =	swait.ge [sflag:s22], $0x4000  }
0x87: {  	[sflag:s22] =	ssyncset.done $0x0  }
0x88: {  	s11 =	rddreg [dreg:$0x8];
	[sflag:s22] =	ssyncadd.s32 $0xFFFFC000  }
0x89: {  	[hbm4b:s11+s2] =	stream.linear.scatter [tilespmem:s25], [sflag:$0xA], $0x4000, $0x38;
	[tilespmem:$0x15900] =	vst v63  }
0x8a: {  	_ =	swait.ge [sflag:s28], $0x4000  }
0x8b: {  	[sflag:s28] =	ssyncset.done $0x0  }
0x8c: {  	[sflag:s28] =	ssyncadd.s32 $0xFFFFC000  }
0x8d: {  	_ =	swait.ge [sflag:s30], $0x4000  }
0x8e: {  	[sflag:s30] =	ssyncset.done $0x0  }
0x8f: {  	[sflag:s30] =	ssyncadd.s32 $0xFFFFC000  }
0x90: {  	_ =	swait.ge [sflag:s1], $0x4000  }
0x91: {  	[sflag:s1] =	ssyncset.done $0x0  }
0x92: {  	[sflag:s1] =	ssyncadd.s32 $0xFFFFC000  }
0x93: {  	_ =	swait.ge [sflag:s20], $0x4000  }
0x94: {  	[sflag:s20] =	ssyncset.done $0x0  }
0x95: {  	[sflag:s20] =	ssyncadd.s32 $0xFFFFC000  }
0x96: {  	_ =	swait.ge [sflag:s24], $0x4000  }
0x97: {  	s4 =	sadd.s32 $0x1, s4;
	s16 =	rddreg [dreg:$0x9]  }
0x98: {  	p0 =	sne.s32 s4, s16  }
.Ltmp1:
0x99: {  	_ = 	snop;
	(pc) =	sbr.rel @p0 .LBB2_1-.Ltmp1, $3  }
0x9a: {  	_ =	sdelay $0x1  }
0x9b: {  	[sflag:s24] =	ssyncset.done $0x0  }
0x9c: {  	[sflag:s24] =	ssyncadd.s32 $0xFFFFC000  }
0x9d: {  	_ =	sfence.sel $0x180000  }
0x9e: {  	[bflag:$0x0] =	sbarrier.arrive $0xFFFF  }
0x9f: {  	_ =	strace $0x90000047  }
0xa0: {  	s0 =	stileid.u32;
	[bflag:$0x2] =	sbarrier.arrive $0xFFFF  }
0xa1: {  	p0 =	sne.s32 s0, $0x0;
	s0 =	rddreg [dreg:$0x2]  }
0xa2: {  	s0 =	sadd.s32 @!p0 $0x100000, s0  }
0xa3: {  	[sflag:s0] =	ssyncadd.tile.s32 @!p0 $0x1;
	_ =	shalt  }
.Lfunc_end2:
_tile_overlayer_lowered:
.L_overlay_start_2:
0xa4: {  	(tag) =	ssettag $0x2  }
0xa5: {  	s0 =	rddreg [dreg:$0x0];
	s2 =	stileid.u32  }
0xa6: {  	s1 =	rddreg [dreg:$0x1];
	p0 =	sne.s32 s2, $0x0  }
0xa7: {  	s3 =	rddreg [dreg:$0x2];
	[bflag:$0x3] =	sbarrier.arrive $0xFFFF;
	s2 =	simm.s32 @!p0 $0x1C0B  }
0xa8: {  	[timem:s3], [sflag:s2] =	dma.local @!p0 [hbm:s0], s1  }
0xa9: {  	s0 =	simm.s32 @!p0 $0xB  }
0xaa: {  	_ =	swait.ge @!p0 [sflag:s0], s1  }
0xab: {  	s1 =	ssub.s32 @!p0 $0x0, s1;
	[sflag:s0] =	ssyncset.done @!p0 $0x0  }
0xac: {  	[sflag:s0] =	ssyncadd.s32 @!p0 s1  }
0xad: {  	[bflag:$0x3] =	sbarrier.arrive $0xFFFF  }
0xae: {  	_ =	shalt  }

// kernel: sparse-core-data-format-call.cloned.1.call-start
scs
called_computation_lowered:
.L_overlay_start_0:
0x0: {  	s2 =	sld [smem:$0x3FD9]  }
0x1: {  	s3 =	sld [smem:$0x3FFE];
	_ =	sdelay $0x1  }
0x2: {  	s1 =	srdreg.scid  }
0x3: {  	s0 =	sand.u32 $0x1, s1  }
0x4: {  	s18 =	sshll.u32 s0, $0xA;
	s2 =	sadd.s32 s3, s2  }
0x5: {  	s2 =	sadd.s32 s2, s18  }
0x6: {  	[smem:$0x3FC6] =	sst s2  }
0x7: {  	_ = 	snop  }
0x8: {  	s2 =	sld [smem:$0x3FD0];
	(tm) =	ssettm $0x1  }
0x9: {  	s19 =	sld [smem:$0x3FFB];
	_ =	sdelay $0x3  }
0xa: {  	_ =	strace s19  }
0xb: {  	s3 =	sld [smem:$0x3FFC];
	_ =	sdelay $0x3  }
0xc: {  	_ =	strace s3  }
0xd: {  	s3 =	sld [smem:$0x3FFD];
	_ =	sdelay $0x3  }
0xe: {  	_ =	strace s3  }
0xf: {  	_ =	strace $0x8FFFFFFF  }
0x10: {  	s20 =	sld [smem:$0x3FDB];
	_ =	sdelay $0x1  }
0x11: {  	s4 =	simm.s32 $_scs_section_size  }
0x12: {  	s5 =	simm.s32 $_size__tile_overlayer_lowered;
	s6 =	simm.s32 $_tile_overlayer_lowered  }
0x13: {  	s23 =	simm.s32 $0x1BFF;
	s22 =	sshll.u32 s6, $0x1;
	s3 =	sadd.s32 s4, s20  }
0x14: {  	s7 =	simm.s32 $0x0;
	s21 =	sshll.u32 s5, $0x1;
	s5 =	sadd.s32 s22, s3  }
0x15: {  	[timem:s7], [sflag:s23] =	dma.local [hbm:s5], s21  }
0x16: {  	_ =	swait.ge [sflag:s23], s21  }
0x17: {  	s4 =	ssub.s32 $0x0, s21;
	[sflag:s23] =	ssyncset.done $0x0  }
0x18: {  	[sflag:s23] =	ssyncadd.s32 s4;
	_ =	sdelay $0x1  }
0x19: {  	s24 =	simm.s32 $0x1B8B  }
0x1a: {  	_ =	swait.ge [sflag:s24], $0x1  }
0x1b: {  	[sflag:s24] =	ssyncset.done $0x0  }
0x1c: {  	s26 =	simm.s32 $0x1B8E;
	s25 =	sld [smem:$0x3FFE];
	[sflag:s24] =	ssyncadd.s32 $0xFFFFFFFF  }
0x1d: {  	s27 =	simm.s32 $execute0_lowered;
	[smem:$0x3FD2] =	sst s26  }
0x1e: {  	s5 =	sshll.u32 s27, $0x1;
	_ =	strace $0x80000049;
	[dreg:$0x1] =	wrdreg $0xFFFFFFFF  }
0x1f: {  	s28 =	simm.s32 $_size_execute0_lowered;
	s3 =	sadd.s32 s3, s5;
	[dreg:$0x0] =	wrdreg $0x0  }
0x20: {  	s5 =	sshll.u32 s28, $0x1;
	[dreg:$0x2] =	wrdreg s3  }
0x21: {  	[dreg:$0x3] =	wrdreg s5  }
0x22: {  	[dreg:$0x4] =	wrdreg $0xC0  }
0x23: {  	_ =	task [dreg:s7], $0x5FFFF  }
0x24: {  	[dreg:$0x1] =	wrdreg $0xFFFFFFFF  }
0x25: {  	[dreg:$0x0] =	wrdreg $0x60  }
0x26: {  	[dreg:$0x2] =	wrdreg s25  }
0x27: {  	[dreg:$0x3] =	wrdreg s2  }
0x28: {  	[dreg:$0x4] =	wrdreg $0x9  }
0x29: {  	_ =	task.clear_ibuf [dreg:s7], $0x5FFFF;
	_ =	strace $0x90000049  }
0x2a: {  	s29 =	simm.s32 $0x9;
	_ =	strace $0x8000004B  }
0x2b: {  	_ =	swait.ge [sflag:s29], $0x1  }
0x2c: {  	[sflag:s29] =	ssyncadd.s32 $0xFFFFFFFF  }
0x2d: {  	_ =	strace $0x9000004B  }
0x2e: {  	_ =	sfence  }
0x2f: {  	s30 =	sld [smem:$0x0];
	_ =	sdelay $0x2  }
0x30: {  	s31 =	sshll.u32 s1, $0xD;
	s1 =	sshrl.u32 s1, $0x2  }
0x31: {  	s3 =	sand.u32 $0x4000, s31;
	s1 =	sadd.s32 s1, s30  }
0x32: {  	s0 =	sor.u32 s3, s0;
	s1 =	sshll.u32 s1, $0x11  }
0x33: {  	s0 =	sor.u32 s1, s0  }
0x34: {  	s0 =	sadd.s32 $0x8F2B, s0  }
0x35: {  	[sflag:s0] =	ssyncadd.remote.s32 $0x1  }
0x36: {  	_ =	sfence.sel $0xFFFF  }
0x37: {  	[dreg:$0x0] =	wrdreg $0xFFFFFFFF;
	(pc) =	sbr.abs _section_cstart, $3  }
0x38: {  	[dreg:$0x1] =	wrdreg $0xFFFFFFFF  }
0x39: {  	_ =	task.clear_ibuf [dreg:s7], $0x2FFFF;
	_ =	strace $0x9FFFFFFF  }
0x3a: {  	(tm) =	ssettm $0x7FFFFFFF  }
0x3b: {  	_ =	shalt  }
tec
execute0_lowered:
.L_overlay_start_1:
0x0: {  	(tag) =	ssettag $0x1  }
0x1: {  	s0 =	srdreg.scid  }
0x2: {  	s1 =	sshll.u32 s0, $0x4  }
0x3: {  	s4 =	rddreg [dreg:$0x0];
	s0 =	stileid.u32;
	s1 =	sand.u32 $0x10, s1  }
0x4: {  	s2 =	rddreg [dreg:$0x1];
	s7 =	simm.s32 $0x1;
	s1 =	sor.u32 s0, s1  }
0x5: {  	s8 =	simm.s32 $0x2;
	s11 =	simm.s32 $0x0;
	s3 =	sshll.u32 s1, $0x7  }
0x6: {  	s10 =	simm.s32 $0x0;
	s4 =	sadd.s32 $0x800, s4;
	s6 =	ssub.s32 $0x32000, s3  }
.Ltmp0:
0x7: {  	s1 =	rddreg [dreg:$0x2];
	s5 =	sand.u32 $0xF80, s6;
	(pc) =	sbr.rel .LBB1_1-.Ltmp0, $4  }
0x8: {  	_ =	strace $0x8000004A;
	s9 =	smov.u32 s3;
	p0 =	sne.s32 s5, $0x0  }
0x9: {  	s6 =	sshrl.u32 s6, $0xC;
	s5 =	simm.s32 $0x1;
	s7 =	simm.s32 @!p0 $0x0  }
0xa: {  	[sflag:s5] =	ssyncpa.u1 $0x0;
	p0 =	por $0x0, $0x0;
	s6 =	sadd.s32 s7, s6  }
0xb: {  	[sflag:s8] =	ssyncpa.u1 $0x0;
	s8 =	simm.s32 $0x190000;
	s7 =	sadd.s32 $0x1, s6  }
.LBB1_4:
0xc: {  	s14 =	sshll.u32 s11, $0x3  }
0xd: {  	s30 =	sand.u32 $0x7F, s11;
	s15 =	sand.u32 $0xFFFFFC00, s14  }
0xe: {  	s11 =	sor.u32 s30, s15  }
0xf: {  	s15 =	smulhi.u32 $0x51EB851F, s11  }
0x10: {  	s14 =	smulhi.u32 $0x51EB851F, s14  }
0x11: {  	s15 =	sshrl.u32 s15, $0x10  }
0x12: {  	s14 =	sshrl.u32 s14, $0x10;
	s15 =	smul.u32 $0x32000, s15  }
0x13: {  	s14 =	sand.u32 $0x3F, s14  }
0x14: {  	s14 =	smul.u32 $0x6400, s14;
	s11 =	ssub.s32 s11, s15  }
0x15: {  	[tilespmem:s13+$0x810 ss:$0x81] =	vst.msk $0xffff, v2;
	s15 =	sand.u32 $0x7, s11  }
0x16: {  	[tilespmem:s13+$0x1020 ss:$0x81] =	vst.msk $0xffff, v0;
	s14 =	sadd.s32 s2, s14;
	s11 =	sshrl.u32 s11, $0x3;
	s15 =	sshll.u32 s15, $0x12  }
0x17: {  	[tilespmem:s13+$0x0 ss:$0x81] =	vst.msk $0xffff, v1;
	s11 =	sadd.s32 s11, s14;
	s31 =	sor.u32 $0x400, s15  }
0x18: {  	[hbm4b:s11+s31] =	stream.strided.scatter [tilespmem:s12], [sflag:$0x2], $0x2000, s8, s31, $0x20;
	[tilespmem:$0x8080] =	vst v63  }
.LBB1_5:
0x19: {  	s13 =	sadd.s32 $0x1000, s9  }
0x1a: {  	p2 =	sgt.s32 s13, $0x31FFF  }
0x1b: {  	s13 =	smov.u32 @p2 s3;
	p2 =	sne.s32 s10, s7  }
.Ltmp1:
0x1c: {  	p1 =	slt.u32 s10, $0x2;
	(pc) =	sbr.rel @!p2 .LBB1_6-.Ltmp1, $4  }
0x1d: {  	s12 =	simm.s32 @!p1 $0x2  }
0x1e: {  	s14 =	sadd.s32 $0x1, s10;
	_ =	swait.ge @!p1 [sflag:s12], $0x2000  }
0x1f: {  	s11 =	smov.u32 s9;
	p0 =	por !p0, !p0;
	[sflag:s12] =	ssyncset.done @!p1 $0x0  }
0x20: {  	s10 =	smov.u32 s14;
	s9 =	smov.u32 s13;
	[sflag:s12] =	ssyncadd.s32 @!p1 $0xFFFFE000  }
.LBB1_1:
0x21: {  	p1 =	sge.u32 s10, s6  }
0x22: {  	s12 =	sand.u32 @!p1 $0x1FFFFFF, s9  }
0x23: {  	s13 =	smulhi.u32 @!p1 $0x147AE15, s12;
	_ =	sdelay $0x1  }
0x24: {  	s13 =	sshrl.u32 @!p1 s13, $0xA  }
0x25: {  	s13 =	smul.u32 @!p1 $0x32000, s13;
	_ =	sdelay $0x1  }
0x26: {  	s31 =	sadd.s32 $0xFFFFFFFF, s10;
	s14 =	sxor.u32 @!p1 $0xFFFFFFFF, s10;
	s12 =	ssub.s32 @!p1 s12, s13  }
0x27: {  	s15 =	simm.s32 @!p1 $0x80;
	s14 =	sshll.u32 @!p1 s14, $0xD;
	s12 =	sshll.u32 @!p1 s12, $0x4  }
0x28: {  	s13 =	sand.u32 @!p1 $0x2000, s14;
	s14 =	simm.s32 @!p1 $0x40;
	s12 =	sadd.s32 @!p1 s4, s12  }
0x29: {  	[tilespmem:s13], [sflag:$0x1] =	stream.strided.gather @!p1 [hbm4b:s12+s14], $0x2000, s15, s14, $0x38;
	[tilespmem:$0x8080] =	vst v63  }
0x2a: {  	p1 =	sge.u32 s31, s6  }
.Ltmp2:
0x2b: {  	_ = 	snop;
	(pc) =	sbr.rel @p1 .LBB1_5-.Ltmp2, $1  }
0x2c: {  	_ =	sdelay $0x3  }
0x2d: {  	s12 =	simm.s32 $0x1  }
0x2e: {  	_ =	swait.ge [sflag:s5], $0x2000;
	s12 =	simm.s32 @!p0 $0x0  }
0x2f: {  	[sflag:s5] =	ssyncset.done $0x0;
	s13 =	sshll.u32 s12, $0xD  }
0x30: {  	[sflag:s5] =	ssyncadd.s32 $0xFFFFE000;
	s16 =	sor.u32 $0x20, s13  }
0x31: {  	s12 =	smul.u32 $0x8100, s12;
	v3 =	vld [tilespmem:s16+$0x10]  }
0x32: {  	s30 =	sand.u32 $0x1, s10;
	v2 =	vld [tilespmem:s16+$0xFFFFFFF0]  }
0x33: {  	s13 =	smul.u32 $0x8100, s30;
	s12 =	sshrl.u32 s12, $0x2;
	v0 =	vld [tilespmem:s16+$0x0]  }
0x34: {  	v1 =	vld [tilespmem:s16+$0xFFFFFFE0];
	s14 =	sor.u32 $0x4000, s12  }
0x35: {  	s31 =	sshrl.u32 s13, $0x2;
	s13 =	sadd.s32 $0x0, s14  }
0x36: {  	s15 =	simm.s32 $0x4;
	s16 =	sadd.s32 $0x40, s16;
	s12 =	sor.u32 $0x4000, s31;
	[tilespmem:s13+$0x1830 ss:$0x81] =	vst.msk $0xffff, v3  }
.LBB1_3:
0x37: {  	v3 =	vld [tilespmem:s16+$0x10];
	p1 =	sne.s32 s15, $0x1FC;
	[tilespmem:s13+$0x810 ss:$0x81] =	vst.msk $0xffff, v2;
	s17 =	smov.u32 s15;
	s15 =	sadd.s32 $0x4, s15  }
.Ltmp3:
0x38: {  	v2 =	vld [tilespmem:s16+$0xFFFFFFF0];
	[tilespmem:s13+$0x1020 ss:$0x81] =	vst.msk $0xffff, v0;
	(pc) =	sbr.rel @p1 .LBB1_3-.Ltmp3, $4  }
0x39: {  	v0 =	vld [tilespmem:s16+$0x0];
	[tilespmem:s13+$0x0 ss:$0x81] =	vst.msk $0xffff, v1  }
0x3a: {  	s13 =	sshra.s32 s17, $0x2;
	v1 =	vld [tilespmem:s16+$0xFFFFFFE0]  }
0x3b: {  	s13 =	sadd.s32 s13, s14  }
0x3c: {  	s16 =	sadd.s32 $0x40, s16;
	[tilespmem:s13+$0x1830 ss:$0x81] =	vst.msk $0xffff, v3  }
.Ltmp4:
0x3d: {  	_ = 	snop;
	(pc) =	sbr.rel .LBB1_4-.Ltmp4, $1  }
0x3e: {  	_ =	sdelay $0x3  }
.LBB1_6:
0x3f: {  	_ =	sfence.sel $0x180000  }
0x40: {  	s2 =	simm.s32 $0x1;
	[bflag:$0x0] =	sbarrier.arrive $0xFFFF  }
0x41: {  	s31 =	simm.s32 $0x2;
	[sflag:s2] =	ssyncpa.u1 $0x1  }
0x42: {  	[sflag:s31] =	ssyncpa.u1 $0x1  }
0x43: {  	p0 =	sne.s32 s0, $0x0;
	_ =	strace $0x9000004A  }
0x44: {  	s0 =	sadd.s32 @!p0 $0x100000, s1;
	[bflag:$0x2] =	sbarrier.arrive $0xFFFF  }
0x45: {  	[sflag:s0] =	ssyncadd.tile.s32 @!p0 $0x1;
	_ =	shalt  }
.Lfunc_end1:
_tile_overlayer_lowered:
.L_overlay_start_2:
0x46: {  	(tag) =	ssettag $0x2  }
0x47: {  	s0 =	rddreg [dreg:$0x0];
	s2 =	stileid.u32  }
0x48: {  	s1 =	rddreg [dreg:$0x1];
	p0 =	sne.s32 s2, $0x0  }
0x49: {  	s3 =	rddreg [dreg:$0x2];
	[bflag:$0x3] =	sbarrier.arrive $0xFFFF;
	s2 =	simm.s32 @!p0 $0x1C01  }
0x4a: {  	[timem:s3], [sflag:s2] =	dma.local @!p0 [hbm:s0], s1  }
0x4b: {  	s0 =	simm.s32 @!p0 $0x1  }
0x4c: {  	_ =	swait.ge @!p0 [sflag:s0], s1  }
0x4d: {  	s1 =	ssub.s32 @!p0 $0x0, s1;
	[sflag:s0] =	ssyncset.done @!p0 $0x0  }
0x4e: {  	[sflag:s0] =	ssyncadd.s32 @!p0 s1  }
0x4f: {  	[bflag:$0x3] =	sbarrier.arrive $0xFFFF  }
0x50: {  	_ =	shalt  }

</sc_bundles>
